<compile_context>
chip_gen: v7x
topology: tpu7x:2x2x1
jax: 0.10.2.dev20260603
libtpu: 0.0.44.dev20260713+nightly
codegen_flags: <defaults>
</compile_context>

<pallas_src>
import functools

import jax
import jax.numpy as jnp
from jax import lax
from jax.experimental import pallas as pl
from jax.experimental.pallas import tpu as pltpu
from jax.experimental.pallas import tpu_sc as plsc

BATCH = 16384
ARITY = 2
EMBED_DIM = 64
HIDDEN = 256
NUM_CONST = 1000000

ROWS = BATCH * ARITY
NC, NS = 2, 16
NW = NC * NS
ROWS_PER_W = ROWS // NW
GROUP = 8
FIRE = 32
NBATCH = ROWS_PER_W // FIRE


def _sc_gather(tbl3, idx2):
    mesh = plsc.VectorSubcoreMesh(core_axis_name="c", subcore_axis_name="s")

    @functools.partial(
        pl.kernel,
        out_type=jax.ShapeDtypeStruct((BATCH, ARITY * EMBED_DIM), jnp.float32),
        mesh=mesh,
        scratch_types=[
            pltpu.VMEM((ROWS_PER_W,), jnp.int32),
            pltpu.VMEM((ROWS_PER_W // 2, ARITY * EMBED_DIM), jnp.float32),
            pltpu.SemaphoreType.DMA,
        ],
        compiler_params=pltpu.CompilerParams(needs_layout_passes=False),
    )
    def gather_kernel(tbl_hbm, idx_hbm, out_hbm, idx_v, rows_v, sem):
        wid = lax.axis_index("s") * NC + lax.axis_index("c")
        pltpu.sync_copy(idx_hbm.at[wid], idx_v)
        out_base = wid * (ROWS_PER_W // 2)

        def batch_body(b, carry):
            copies = []
            for k2 in range(FIRE // 16):
                iv = idx_v[pl.ds(b * FIRE + k2 * 16, 16)]
                for k1 in range(16):
                    k = k2 * 16 + k1
                    v = iv[k1]
                    copies.append(
                        pltpu.async_copy(
                            tbl_hbm.at[jnp.right_shift(v, 3),
                                       jnp.bitwise_and(v, 7)],
                            rows_v.at[b * (FIRE // 2) + k // 2,
                                      pl.ds((k % 2) * EMBED_DIM, EMBED_DIM)],
                            sem,
                        )
                    )
            for c in copies:
                c.wait()
            return carry

        lax.fori_loop(0, NBATCH, batch_body, 0)
        pltpu.sync_copy(
            rows_v, out_hbm.at[pl.ds(out_base, ROWS_PER_W // 2)]
        )

    return gather_kernel(tbl3, idx2)


def _mlp_body(x_ref, w1_ref, b1_ref, w2t_ref, b2_ref, o_ref):
    xb = x_ref[...].astype(jnp.bfloat16)
    w1b = w1_ref[...].astype(jnp.bfloat16)
    h = jnp.dot(xb, w1b, preferred_element_type=jnp.float32)
    h = jnp.maximum(h + b1_ref[...][None, :], 0.0)
    logit = jnp.sum(h * w2t_ref[...], axis=1) + b2_ref[0]
    o_ref[...] = jax.nn.sigmoid(logit)


def _tc_mlp(x, W1, b1, W2t, b2):
    TB = 1024
    grid = (BATCH // TB,)
    return pl.pallas_call(
        _mlp_body,
        grid=grid,
        in_specs=[
            pl.BlockSpec((TB, ARITY * EMBED_DIM), lambda i: (i, 0)),
            pl.BlockSpec((ARITY * EMBED_DIM, HIDDEN), lambda i: (0, 0)),
            pl.BlockSpec((HIDDEN,), lambda i: (0,)),
            pl.BlockSpec((1, HIDDEN), lambda i: (0, 0)),
            pl.BlockSpec(memory_space=pltpu.SMEM),
        ],
        out_specs=pl.BlockSpec((TB,), lambda i: (i,)),
        out_shape=jax.ShapeDtypeStruct((BATCH,), jnp.float32),
    )(x, W1, b1, W2t, b2)


def kernel(indices, table, W1, b1, W2, b2):
    idx2 = indices.astype(jnp.int32).reshape(NW, ROWS_PER_W)
    tbl3 = table.reshape(NUM_CONST // GROUP, GROUP, EMBED_DIM)
    x = _sc_gather(tbl3, idx2)
    return _tc_mlp(x, W1, b1, W2.reshape(1, HIDDEN), b2)

# --- scband reference (transcript-rebuilt; emitter-appended) ---
"""Pipeline reference for scband-guard-net-34522947125664 (READ-ONLY COPY).

The authoritative reference and input builder live on the scoring server;
editing this copy changes nothing except your own understanding.
"""

import jax, jax.numpy as jnp
import numpy as np

NUM_CONSTANTS = 1000000
EMBED_DIM = 64
BATCH = 16384
ARITY = 2
HIDDEN = 256


def setup_inputs(seed: int = 0) -> dict:
    key = jax.random.key(seed)
    k1, k2, k3, k4 = jax.random.split(key, 4)
    indices = jax.random.randint(k1, (BATCH, ARITY), 0, NUM_CONSTANTS)
    table = jax.random.normal(k2, (NUM_CONSTANTS, EMBED_DIM), dtype=jnp.float32) * 0.02
    W1 = jax.random.normal(k3, (ARITY * EMBED_DIM, HIDDEN), dtype=jnp.float32) * (1.0 / np.sqrt(ARITY * EMBED_DIM))
    b1 = jnp.zeros((HIDDEN,), dtype=jnp.float32)
    W2 = jax.random.normal(k4, (HIDDEN, 1), dtype=jnp.float32) * (1.0 / np.sqrt(HIDDEN))
    b2 = jnp.zeros((1,), dtype=jnp.float32)
    return {"indices": indices, "table": table, "W1": W1, "b1": b1, "W2": W2, "b2": b2}


def reference(indices, table, W1, b1, W2, b2):
    # Constant-embedding lookup for a batch of ground atoms (arity-2 predicate),
    # followed by the PredicateMLP producing a fuzzy satisfaction degree in [0, 1].
    emb = jnp.take(table, indices, axis=0)          # [B, ARITY, D] gather (memory-bound)
    x = emb.reshape(emb.shape[0], -1)                # [B, ARITY*D]
    h = jax.nn.relu(x @ W1 + b1)                     # [B, HIDDEN]
    sat = jax.nn.sigmoid((h @ W2 + b2).squeeze(-1))  # [B] fuzzy truth values
    return sat

if __name__ == "__main__":
    import jax
    _d = setup_inputs()
    print(jax.jit(kernel)(*tuple(_d.values())))

</pallas_src>

<mosaic_0001>
#map = affine_map<(d0, d1) -> (0, 0, 0)>
#map1 = affine_map<(d0, d1) -> (0, 0)>
module attributes {stable_mosaic.version = 14 : i64} {
  func.func @gather_kernel(%arg0: i32, %arg1: i32, %arg2: memref<125000x8x64xf32, #tpu.memory_space<hbm>>, %arg3: memref<32x1024xi32, #tpu.memory_space<hbm>>, %arg4: memref<16384x128xf32, #tpu.memory_space<hbm>>, %arg5: memref<1024xi32, #tpu.memory_space<vmem>>, %arg6: memref<512x128xf32, #tpu.memory_space<vmem>>, %arg7: memref<!tpu.dma_semaphore, #tpu.memory_space<semaphore_mem>>) attributes {dimension_semantics = [#tpu.dimension_semantics<core_parallel>, #tpu.dimension_semantics<subcore_parallel>], iteration_bounds = array<i64: 2, 16>, scalar_prefetch = 0 : i64, scratch_operands = 3 : i64, tpu.core_type = #tpu.core_type<sc_vector_subcore>, window_params = [{transform_indices = #map}, {transform_indices = #map1}, {transform_indices = #map1}]} {
    %mul3A = arith.constant 2 : i32
    %mul3A_0 = arith.muli %arg1, %mul3A : i32
    %add3A = arith.addi %mul3A_0, %arg0 : i32
    "tpu.region"() ({
      %run_scoped3A = tpu.sem_alloc : memref<!tpu.dma_semaphore, #tpu.memory_space<semaphore_mem>>
      %dma_start3A = arith.constant 0 : i32
      %dma_start3A_8 = tpu.memref_slice %arg3[%add3A, %dma_start3A] : memref<32x1024xi32, #tpu.memory_space<hbm>> -> memref<1x1024xi32, #tpu.memory_space<hbm>>
      %dma_start3A_9 = tpu.memref_squeeze %dma_start3A_8 : memref<1x1024xi32, #tpu.memory_space<hbm>> -> memref<1024xi32, #tpu.memory_space<hbm>>
      %dma_start3A_10 = arith.constant 0 : i32
      %dma_start3A_11 = tpu.memref_slice %arg3[%add3A, %dma_start3A_10] : memref<32x1024xi32, #tpu.memory_space<hbm>> -> memref<1x1024xi32, #tpu.memory_space<hbm>>
      %dma_start3A_12 = tpu.memref_squeeze %dma_start3A_11 : memref<1x1024xi32, #tpu.memory_space<hbm>> -> memref<1024xi32, #tpu.memory_space<hbm>>
      tpu.enqueue_dma source(%dma_start3A_12 : memref<1024xi32, #tpu.memory_space<hbm>>) target(%arg5 : memref<1024xi32, #tpu.memory_space<vmem>>) target_semaphore(%run_scoped3A : memref<!tpu.dma_semaphore, #tpu.memory_space<semaphore_mem>>)
      %dma_wait3A = arith.constant 0 : i32
      %dma_wait3A_13 = tpu.memref_slice %arg3[%add3A, %dma_wait3A] : memref<32x1024xi32, #tpu.memory_space<hbm>> -> memref<1x1024xi32, #tpu.memory_space<hbm>>
      %dma_wait3A_14 = tpu.memref_squeeze %dma_wait3A_13 : memref<1x1024xi32, #tpu.memory_space<hbm>> -> memref<1024xi32, #tpu.memory_space<hbm>>
      %dma_wait3A_15 = arith.constant 0 : i32
      %dma_wait3A_16 = tpu.memref_slice %arg3[%add3A, %dma_wait3A_15] : memref<32x1024xi32, #tpu.memory_space<hbm>> -> memref<1x1024xi32, #tpu.memory_space<hbm>>
      %dma_wait3A_17 = tpu.memref_squeeze %dma_wait3A_16 : memref<1x1024xi32, #tpu.memory_space<hbm>> -> memref<1024xi32, #tpu.memory_space<hbm>>
      tpu.wait_dma2 semaphore(%run_scoped3A : memref<!tpu.dma_semaphore, #tpu.memory_space<semaphore_mem>>) src(%dma_wait3A_17 : memref<1024xi32, #tpu.memory_space<hbm>>) dst(%arg5 : memref<1024xi32, #tpu.memory_space<vmem>>)
      tpu.yield
    }) : () -> ()
    %mul3A_1 = arith.constant 512 : i32
    %mul3A_2 = arith.muli %add3A, %mul3A_1 : i32
    %scan3A = arith.constant 0 : i32
    %scan3A_3 = arith.constant 0 : i32
    %scan3A_4 = arith.constant 32 : i32
    %scan3A_5 = arith.addi %scan3A_3, %scan3A_4 : i32
    %scan3A_6 = arith.constant 1 : i32
    scf.for %scan3A_8 = %scan3A_3 to %scan3A_5 step %scan3A_6  : i32 {
      %mul3A_9 = arith.constant 32 : i32
      %mul3A_10 = arith.muli %scan3A_8, %mul3A_9 : i32
      %add3A_11 = arith.constant 0 : i32
      %add3A_12 = arith.addi %mul3A_10, %add3A_11 : i32
      %get3A = arith.index_cast %add3A_12 : i32 to index
      %get3A_13 = tpu.vector_load %arg5[%get3A] {strides = array<i32>} : memref<1024xi32, #tpu.memory_space<vmem>>, vector<16xi32>,
      %slice3A = vector.extract_strided_slice %get3A_13 {offsets = [0], sizes = [1], strides = [1]} : vector<16xi32> to vector<1xi32>
      %squeeze3A = vector.extract %slice3A[0] : i32 from vector<1xi32>
      %shift_right_arithmetic3A = arith.constant 3 : i32
      %shift_right_arithmetic3A_14 = arith.shrsi %squeeze3A, %shift_right_arithmetic3A : i32
      %and3A = arith.constant 7 : i32
      %and3A_15 = arith.andi %squeeze3A, %and3A : i32
      %mul3A_16 = arith.constant 16 : i32
      %mul3A_17 = arith.muli %scan3A_8, %mul3A_16 : i32
      %add3A_18 = arith.constant 0 : i32
      %add3A_19 = arith.addi %mul3A_17, %add3A_18 : i32
      %dma_start3A = arith.constant 0 : i32
      %dma_start3A_20 = tpu.memref_slice %arg6[%add3A_19, %dma_start3A] : memref<512x128xf32, #tpu.memory_space<vmem>> -> memref<1x64xf32, #tpu.memory_space<vmem>>
      %dma_start3A_21 = tpu.memref_squeeze %dma_start3A_20 : memref<1x64xf32, #tpu.memory_space<vmem>> -> memref<64xf32, #tpu.memory_space<vmem>>
      %dma_start3A_22 = arith.constant 0 : i32
      %dma_start3A_23 = tpu.memref_slice %arg2[%shift_right_arithmetic3A_14, %and3A_15, %dma_start3A_22] : memref<125000x8x64xf32, #tpu.memory_space<hbm>> -> memref<1x1x64xf32, #tpu.memory_space<hbm>>
      %dma_start3A_24 = tpu.memref_squeeze %dma_start3A_23 : memref<1x1x64xf32, #tpu.memory_space<hbm>> -> memref<64xf32, #tpu.memory_space<hbm>>
      %dma_start3A_25 = arith.constant 0 : i32
      %dma_start3A_26 = tpu.memref_slice %arg6[%add3A_19, %dma_start3A_25] : memref<512x128xf32, #tpu.memory_space<vmem>> -> memref<1x64xf32, #tpu.memory_space<vmem>>
      %dma_start3A_27 = tpu.memref_squeeze %dma_start3A_26 : memref<1x64xf32, #tpu.memory_space<vmem>> -> memref<64xf32, #tpu.memory_space<vmem>>
      %dma_start3A_28 = arith.constant 0 : i32
      %dma_start3A_29 = tpu.memref_slice %arg2[%shift_right_arithmetic3A_14, %and3A_15, %dma_start3A_28] : memref<125000x8x64xf32, #tpu.memory_space<hbm>> -> memref<1x1x64xf32, #tpu.memory_space<hbm>>
      %dma_start3A_30 = tpu.memref_squeeze %dma_start3A_29 : memref<1x1x64xf32, #tpu.memory_space<hbm>> -> memref<64xf32, #tpu.memory_space<hbm>>
      tpu.enqueue_dma source(%dma_start3A_30 : memref<64xf32, #tpu.memory_space<hbm>>) target(%dma_start3A_27 : memref<64xf32, #tpu.memory_space<vmem>>) target_semaphore(%arg7 : memref<!tpu.dma_semaphore, #tpu.memory_space<semaphore_mem>>)
      %slice3A_31 = vector.extract_strided_slice %get3A_13 {offsets = [1], sizes = [1], strides = [1]} : vector<16xi32> to vector<1xi32>
      %squeeze3A_32 = vector.extract %slice3A_31[0] : i32 from vector<1xi32>
      %shift_right_arithmetic3A_33 = arith.constant 3 : i32
      %shift_right_arithmetic3A_34 = arith.shrsi %squeeze3A_32, %shift_right_arithmetic3A_33 : i32
      %and3A_35 = arith.constant 7 : i32
      %and3A_36 = arith.andi %squeeze3A_32, %and3A_35 : i32
      %mul3A_37 = arith.constant 16 : i32
      %mul3A_38 = arith.muli %scan3A_8, %mul3A_37 : i32
      %add3A_39 = arith.constant 0 : i32
      %add3A_40 = arith.addi %mul3A_38, %add3A_39 : i32
      %dma_start3A_41 = arith.constant 64 : i32
      %dma_start3A_42 = tpu.memref_slice %arg6[%add3A_40, %dma_start3A_41] : memref<512x128xf32, #tpu.memory_space<vmem>> -> memref<1x64xf32, #tpu.memory_space<vmem>>
      %dma_start3A_43 = tpu.memref_squeeze %dma_start3A_42 : memref<1x64xf32, #tpu.memory_space<vmem>> -> memref<64xf32, #tpu.memory_space<vmem>>
      %dma_start3A_44 = arith.constant 0 : i32
      %dma_start3A_45 = tpu.memref_slice %arg2[%shift_right_arithmetic3A_34, %and3A_36, %dma_start3A_44] : memref<125000x8x64xf32, #tpu.memory_space<hbm>> -> memref<1x1x64xf32, #tpu.memory_space<hbm>>
      %dma_start3A_46 = tpu.memref_squeeze %dma_start3A_45 : memref<1x1x64xf32, #tpu.memory_space<hbm>> -> memref<64xf32, #tpu.memory_space<hbm>>
      %dma_start3A_47 = arith.constant 64 : i32
      %dma_start3A_48 = tpu.memref_slice %arg6[%add3A_40, %dma_start3A_47] : memref<512x128xf32, #tpu.memory_space<vmem>> -> memref<1x64xf32, #tpu.memory_space<vmem>>
      %dma_start3A_49 = tpu.memref_squeeze %dma_start3A_48 : memref<1x64xf32, #tpu.memory_space<vmem>> -> memref<64xf32, #tpu.memory_space<vmem>>
      %dma_start3A_50 = arith.constant 0 : i32
      %dma_start3A_51 = tpu.memref_slice %arg2[%shift_right_arithmetic3A_34, %and3A_36, %dma_start3A_50] : memref<125000x8x64xf32, #tpu.memory_space<hbm>> -> memref<1x1x64xf32, #tpu.memory_space<hbm>>
      %dma_start3A_52 = tpu.memref_squeeze %dma_start3A_51 : memref<1x1x64xf32, #tpu.memory_space<hbm>> -> memref<64xf32, #tpu.memory_space<hbm>>
      tpu.enqueue_dma source(%dma_start3A_52 : memref<64xf32, #tpu.memory_space<hbm>>) target(%dma_start3A_49 : memref<64xf32, #tpu.memory_space<vmem>>) target_semaphore(%arg7 : memref<!tpu.dma_semaphore, #tpu.memory_space<semaphore_mem>>)
      %slice3A_53 = vector.extract_strided_slice %get3A_13 {offsets = [2], sizes = [1], strides = [1]} : vector<16xi32> to vector<1xi32>
      %squeeze3A_54 = vector.extract %slice3A_53[0] : i32 from vector<1xi32>
      %shift_right_arithmetic3A_55 = arith.constant 3 : i32
      %shift_right_arithmetic3A_56 = arith.shrsi %squeeze3A_54, %shift_right_arithmetic3A_55 : i32
      %and3A_57 = arith.constant 7 : i32
      %and3A_58 = arith.andi %squeeze3A_54, %and3A_57 : i32
      %mul3A_59 = arith.constant 16 : i32
      %mul3A_60 = arith.muli %scan3A_8, %mul3A_59 : i32
      %add3A_61 = arith.constant 1 : i32
      %add3A_62 = arith.addi %mul3A_60, %add3A_61 : i32
      %dma_start3A_63 = arith.constant 0 : i32
      %dma_start3A_64 = tpu.memref_slice %arg6[%add3A_62, %dma_start3A_63] : memref<512x128xf32, #tpu.memory_space<vmem>> -> memref<1x64xf32, #tpu.memory_space<vmem>>
      %dma_start3A_65 = tpu.memref_squeeze %dma_start3A_64 : memref<1x64xf32, #tpu.memory_space<vmem>> -> memref<64xf32, #tpu.memory_space<vmem>>
      %dma_start3A_66 = arith.constant 0 : i32
      %dma_start3A_67 = tpu.memref_slice %arg2[%shift_right_arithmetic3A_56, %and3A_58, %dma_start3A_66] : memref<125000x8x64xf32, #tpu.memory_space<hbm>> -> memref<1x1x64xf32, #tpu.memory_space<hbm>>
      %dma_start3A_68 = tpu.memref_squeeze %dma_start3A_67 : memref<1x1x64xf32, #tpu.memory_space<hbm>> -> memref<64xf32, #tpu.memory_space<hbm>>
      %dma_start3A_69 = arith.constant 0 : i32
      %dma_start3A_70 = tpu.memref_slice %arg6[%add3A_62, %dma_start3A_69] : memref<512x128xf32, #tpu.memory_space<vmem>> -> memref<1x64xf32, #tpu.memory_space<vmem>>
      %dma_start3A_71 = tpu.memref_squeeze %dma_start3A_70 : memref<1x64xf32, #tpu.memory_space<vmem>> -> memref<64xf32, #tpu.memory_space<vmem>>
      %dma_start3A_72 = arith.constant 0 : i32
      %dma_start3A_73 = tpu.memref_slice %arg2[%shift_right_arithmetic3A_56, %and3A_58, %dma_start3A_72] : memref<125000x8x64xf32, #tpu.memory_space<hbm>> -> memref<1x1x64xf32, #tpu.memory_space<hbm>>
      %dma_start3A_74 = tpu.memref_squeeze %dma_start3A_73 : memref<1x1x64xf32, #tpu.memory_space<hbm>> -> memref<64xf32, #tpu.memory_space<hbm>>
      tpu.enqueue_dma source(%dma_start3A_74 : memref<64xf32, #tpu.memory_space<hbm>>) target(%dma_start3A_71 : memref<64xf32, #tpu.memory_space<vmem>>) target_semaphore(%arg7 : memref<!tpu.dma_semaphore, #tpu.memory_space<semaphore_mem>>)
      %slice3A_75 = vector.extract_strided_slice %get3A_13 {offsets = [3], sizes = [1], strides = [1]} : vector<16xi32> to vector<1xi32>
      %squeeze3A_76 = vector.extract %slice3A_75[0] : i32 from vector<1xi32>
      %shift_right_arithmetic3A_77 = arith.constant 3 : i32
      %shift_right_arithmetic3A_78 = arith.shrsi %squeeze3A_76, %shift_right_arithmetic3A_77 : i32
      %and3A_79 = arith.constant 7 : i32
      %and3A_80 = arith.andi %squeeze3A_76, %and3A_79 : i32
      %mul3A_81 = arith.constant 16 : i32
      %mul3A_82 = arith.muli %scan3A_8, %mul3A_81 : i32
      %add3A_83 = arith.constant 1 : i32
      %add3A_84 = arith.addi %mul3A_82, %add3A_83 : i32
      %dma_start3A_85 = arith.constant 64 : i32
      %dma_start3A_86 = tpu.memref_slice %arg6[%add3A_84, %dma_start3A_85] : memref<512x128xf32, #tpu.memory_space<vmem>> -> memref<1x64xf32, #tpu.memory_space<vmem>>
      %dma_start3A_87 = tpu.memref_squeeze %dma_start3A_86 : memref<1x64xf32, #tpu.memory_space<vmem>> -> memref<64xf32, #tpu.memory_space<vmem>>
      %dma_start3A_88 = arith.constant 0 : i32
      %dma_start3A_89 = tpu.memref_slice %arg2[%shift_right_arithmetic3A_78, %and3A_80, %dma_start3A_88] : memref<125000x8x64xf32, #tpu.memory_space<hbm>> -> memref<1x1x64xf32, #tpu.memory_space<hbm>>
      %dma_start3A_90 = tpu.memref_squeeze %dma_start3A_89 : memref<1x1x64xf32, #tpu.memory_space<hbm>> -> memref<64xf32, #tpu.memory_space<hbm>>
      %dma_start3A_91 = arith.constant 64 : i32
      %dma_start3A_92 = tpu.memref_slice %arg6[%add3A_84, %dma_start3A_91] : memref<512x128xf32, #tpu.memory_space<vmem>> -> memref<1x64xf32, #tpu.memory_space<vmem>>
      %dma_start3A_93 = tpu.memref_squeeze %dma_start3A_92 : memref<1x64xf32, #tpu.memory_space<vmem>> -> memref<64xf32, #tpu.memory_space<vmem>>
      %dma_start3A_94 = arith.constant 0 : i32
      %dma_start3A_95 = tpu.memref_slice %arg2[%shift_right_arithmetic3A_78, %and3A_80, %dma_start3A_94] : memref<125000x8x64xf32, #tpu.memory_space<hbm>> -> memref<1x1x64xf32, #tpu.memory_space<hbm>>
      %dma_start3A_96 = tpu.memref_squeeze %dma_start3A_95 : memref<1x1x64xf32, #tpu.memory_space<hbm>> -> memref<64xf32, #tpu.memory_space<hbm>>
      tpu.enqueue_dma source(%dma_start3A_96 : memref<64xf32, #tpu.memory_space<hbm>>) target(%dma_start3A_93 : memref<64xf32, #tpu.memory_space<vmem>>) target_semaphore(%arg7 : memref<!tpu.dma_semaphore, #tpu.memory_space<semaphore_mem>>)
      %slice3A_97 = vector.extract_strided_slice %get3A_13 {offsets = [4], sizes = [1], strides = [1]} : vector<16xi32> to vector<1xi32>
      %squeeze3A_98 = vector.extract %slice3A_97[0] : i32 from vector<1xi32>
      %shift_right_arithmetic3A_99 = arith.constant 3 : i32
      %shift_right_arithmetic3A_100 = arith.shrsi %squeeze3A_98, %shift_right_arithmetic3A_99 : i32
      %and3A_101 = arith.constant 7 : i32
      %and3A_102 = arith.andi %squeeze3A_98, %and3A_101 : i32
      %mul3A_103 = arith.constant 16 : i32
      %mul3A_104 = arith.muli %scan3A_8, %mul3A_103 : i32
      %add3A_105 = arith.constant 2 : i32
      %add3A_106 = arith.addi %mul3A_104, %add3A_105 : i32
      %dma_start3A_107 = arith.constant 0 : i32
      %dma_start3A_108 = tpu.memref_slice %arg6[%add3A_106, %dma_start3A_107] : memref<512x128xf32, #tpu.memory_space<vmem>> -> memref<1x64xf32, #tpu.memory_space<vmem>>
      %dma_start3A_109 = tpu.memref_squeeze %dma_start3A_108 : memref<1x64xf32, #tpu.memory_space<vmem>> -> memref<64xf32, #tpu.memory_space<vmem>>
      %dma_start3A_110 = arith.constant 0 : i32
      %dma_start3A_111 = tpu.memref_slice %arg2[%shift_right_arithmetic3A_100, %and3A_102, %dma_start3A_110] : memref<125000x8x64xf32, #tpu.memory_space<hbm>> -> memref<1x1x64xf32, #tpu.memory_space<hbm>>
      %dma_start3A_112 = tpu.memref_squeeze %dma_start3A_111 : memref<1x1x64xf32, #tpu.memory_space<hbm>> -> memref<64xf32, #tpu.memory_space<hbm>>
      %dma_start3A_113 = arith.constant 0 : i32
      %dma_start3A_114 = tpu.memref_slice %arg6[%add3A_106, %dma_start3A_113] : memref<512x128xf32, #tpu.memory_space<vmem>> -> memref<1x64xf32, #tpu.memory_space<vmem>>
      %dma_start3A_115 = tpu.memref_squeeze %dma_start3A_114 : memref<1x64xf32, #tpu.memory_space<vmem>> -> memref<64xf32, #tpu.memory_space<vmem>>
      %dma_start3A_116 = arith.constant 0 : i32
      %dma_start3A_117 = tpu.memref_slice %arg2[%shift_right_arithmetic3A_100, %and3A_102, %dma_start3A_116] : memref<125000x8x64xf32, #tpu.memory_space<hbm>> -> memref<1x1x64xf32, #tpu.memory_space<hbm>>
      %dma_start3A_118 = tpu.memref_squeeze %dma_start3A_117 : memref<1x1x64xf32, #tpu.memory_space<hbm>> -> memref<64xf32, #tpu.memory_space<hbm>>
      tpu.enqueue_dma source(%dma_start3A_118 : memref<64xf32, #tpu.memory_space<hbm>>) target(%dma_start3A_115 : memref<64xf32, #tpu.memory_space<vmem>>) target_semaphore(%arg7 : memref<!tpu.dma_semaphore, #tpu.memory_space<semaphore_mem>>)
      %slice3A_119 = vector.extract_strided_slice %get3A_13 {offsets = [5], sizes = [1], strides = [1]} : vector<16xi32> to vector<1xi32>
      %squeeze3A_120 = vector.extract %slice3A_119[0] : i32 from vector<1xi32>
      %shift_right_arithmetic3A_121 = arith.constant 3 : i32
      %shift_right_arithmetic3A_122 = arith.shrsi %squeeze3A_120, %shift_right_arithmetic3A_121 : i32
      %and3A_123 = arith.constant 7 : i32
      %and3A_124 = arith.andi %squeeze3A_120, %and3A_123 : i32
      %mul3A_125 = arith.constant 16 : i32
      %mul3A_126 = arith.muli %scan3A_8, %mul3A_125 : i32
      %add3A_127 = arith.constant 2 : i32
      %add3A_128 = arith.addi %mul3A_126, %add3A_127 : i32
      %dma_start3A_129 = arith.constant 64 : i32
      %dma_start3A_130 = tpu.memref_slice %arg6[%add3A_128, %dma_start3A_129] : memref<512x128xf32, #tpu.memory_space<vmem>> -> memref<1x64xf32, #tpu.memory_space<vmem>>
      %dma_start3A_131 = tpu.memref_squeeze %dma_start3A_130 : memref<1x64xf32, #tpu.memory_space<vmem>> -> memref<64xf32, #tpu.memory_space<vmem>>
      %dma_start3A_132 = arith.constant 0 : i32
      %dma_start3A_133 = tpu.memref_slice %arg2[%shift_right_arithmetic3A_122, %and3A_124, %dma_start3A_132] : memref<125000x8x64xf32, #tpu.memory_space<hbm>> -> memref<1x1x64xf32, #tpu.memory_space<hbm>>
      %dma_start3A_134 = tpu.memref_squeeze %dma_start3A_133 : memref<1x1x64xf32, #tpu.memory_space<hbm>> -> memref<64xf32, #tpu.memory_space<hbm>>
      %dma_start3A_135 = arith.constant 64 : i32
      %dma_start3A_136 = tpu.memref_slice %arg6[%add3A_128, %dma_start3A_135] : memref<512x128xf32, #tpu.memory_space<vmem>> -> memref<1x64xf32, #tpu.memory_space<vmem>>
      %dma_start3A_137 = tpu.memref_squeeze %dma_start3A_136 : memref<1x64xf32, #tpu.memory_space<vmem>> -> memref<64xf32, #tpu.memory_space<vmem>>
      %dma_start3A_138 = arith.constant 0 : i32
      %dma_start3A_139 = tpu.memref_slice %arg2[%shift_right_arithmetic3A_122, %and3A_124, %dma_start3A_138] : memref<125000x8x64xf32, #tpu.memory_space<hbm>> -> memref<1x1x64xf32, #tpu.memory_space<hbm>>
      %dma_start3A_140 = tpu.memref_squeeze %dma_start3A_139 : memref<1x1x64xf32, #tpu.memory_space<hbm>> -> memref<64xf32, #tpu.memory_space<hbm>>
      tpu.enqueue_dma source(%dma_start3A_140 : memref<64xf32, #tpu.memory_space<hbm>>) target(%dma_start3A_137 : memref<64xf32, #tpu.memory_space<vmem>>) target_semaphore(%arg7 : memref<!tpu.dma_semaphore, #tpu.memory_space<semaphore_mem>>)
      %slice3A_141 = vector.extract_strided_slice %get3A_13 {offsets = [6], sizes = [1], strides = [1]} : vector<16xi32> to vector<1xi32>
      %squeeze3A_142 = vector.extract %slice3A_141[0] : i32 from vector<1xi32>
      %shift_right_arithmetic3A_143 = arith.constant 3 : i32
      %shift_right_arithmetic3A_144 = arith.shrsi %squeeze3A_142, %shift_right_arithmetic3A_143 : i32
      %and3A_145 = arith.constant 7 : i32
      %and3A_146 = arith.andi %squeeze3A_142, %and3A_145 : i32
      %mul3A_147 = arith.constant 16 : i32
      %mul3A_148 = arith.muli %scan3A_8, %mul3A_147 : i32
      %add3A_149 = arith.constant 3 : i32
      %add3A_150 = arith.addi %mul3A_148, %add3A_149 : i32
      %dma_start3A_151 = arith.constant 0 : i32
      %dma_start3A_152 = tpu.memref_slice %arg6[%add3A_150, %dma_start3A_151] : memref<512x128xf32, #tpu.memory_space<vmem>> -> memref<1x64xf32, #tpu.memory_space<vmem>>
      %dma_start3A_153 = tpu.memref_squeeze %dma_start3A_152 : memref<1x64xf32, #tpu.memory_space<vmem>> -> memref<64xf32, #tpu.memory_space<vmem>>
      %dma_start3A_154 = arith.constant 0 : i32
      %dma_start3A_155 = tpu.memref_slice %arg2[%shift_right_arithmetic3A_144, %and3A_146, %dma_start3A_154] : memref<125000x8x64xf32, #tpu.memory_space<hbm>> -> memref<1x1x64xf32, #tpu.memory_space<hbm>>
      %dma_start3A_156 = tpu.memref_squeeze %dma_start3A_155 : memref<1x1x64xf32, #tpu.memory_space<hbm>> -> memref<64xf32, #tpu.memory_space<hbm>>
      %dma_start3A_157 = arith.constant 0 : i32
      %dma_start3A_158 = tpu.memref_slice %arg6[%add3A_150, %dma_start3A_157] : memref<512x128xf32, #tpu.memory_space<vmem>> -> memref<1x64xf32, #tpu.memory_space<vmem>>
      %dma_start3A_159 = tpu.memref_squeeze %dma_start3A_158 : memref<1x64xf32, #tpu.memory_space<vmem>> -> memref<64xf32, #tpu.memory_space<vmem>>
      %dma_start3A_160 = arith.constant 0 : i32
      %dma_start3A_161 = tpu.memref_slice %arg2[%shift_right_arithmetic3A_144, %and3A_146, %dma_start3A_160] : memref<125000x8x64xf32, #tpu.memory_space<hbm>> -> memref<1x1x64xf32, #tpu.memory_space<hbm>>
      %dma_start3A_162 = tpu.memref_squeeze %dma_start3A_161 : memref<1x1x64xf32, #tpu.memory_space<hbm>> -> memref<64xf32, #tpu.memory_space<hbm>>
      tpu.enqueue_dma source(%dma_start3A_162 : memref<64xf32, #tpu.memory_space<hbm>>) target(%dma_start3A_159 : memref<64xf32, #tpu.memory_space<vmem>>) target_semaphore(%arg7 : memref<!tpu.dma_semaphore, #tpu.memory_space<semaphore_mem>>)
      %slice3A_163 = vector.extract_strided_slice %get3A_13 {offsets = [7], sizes = [1], strides = [1]} : vector<16xi32> to vector<1xi32>
      %squeeze3A_164 = vector.extract %slice3A_163[0] : i32 from vector<1xi32>
      %shift_right_arithmetic3A_165 = arith.constant 3 : i32
      %shift_right_arithmetic3A_166 = arith.shrsi %squeeze3A_164, %shift_right_arithmetic3A_165 : i32
      %and3A_167 = arith.constant 7 : i32
      %and3A_168 = arith.andi %squeeze3A_164, %and3A_167 : i32
      %mul3A_169 = arith.constant 16 : i32
      %mul3A_170 = arith.muli %scan3A_8, %mul3A_169 : i32
      %add3A_171 = arith.constant 3 : i32
      %add3A_172 = arith.addi %mul3A_170, %add3A_171 : i32
      %dma_start3A_173 = arith.constant 64 : i32
      %dma_start3A_174 = tpu.memref_slice %arg6[%add3A_172, %dma_start3A_173] : memref<512x128xf32, #tpu.memory_space<vmem>> -> memref<1x64xf32, #tpu.memory_space<vmem>>
      %dma_start3A_175 = tpu.memref_squeeze %dma_start3A_174 : memref<1x64xf32, #tpu.memory_space<vmem>> -> memref<64xf32, #tpu.memory_space<vmem>>
      %dma_start3A_176 = arith.constant 0 : i32
      %dma_start3A_177 = tpu.memref_slice %arg2[%shift_right_arithmetic3A_166, %and3A_168, %dma_start3A_176] : memref<125000x8x64xf32, #tpu.memory_space<hbm>> -> memref<1x1x64xf32, #tpu.memory_space<hbm>>
      %dma_start3A_178 = tpu.memref_squeeze %dma_start3A_177 : memref<1x1x64xf32, #tpu.memory_space<hbm>> -> memref<64xf32, #tpu.memory_space<hbm>>
      %dma_start3A_179 = arith.constant 64 : i32
      %dma_start3A_180 = tpu.memref_slice %arg6[%add3A_172, %dma_start3A_179] : memref<512x128xf32, #tpu.memory_space<vmem>> -> memref<1x64xf32, #tpu.memory_space<vmem>>
      %dma_start3A_181 = tpu.memref_squeeze %dma_start3A_180 : memref<1x64xf32, #tpu.memory_space<vmem>> -> memref<64xf32, #tpu.memory_space<vmem>>
      %dma_start3A_182 = arith.constant 0 : i32
      %dma_start3A_183 = tpu.memref_slice %arg2[%shift_right_arithmetic3A_166, %and3A_168, %dma_start3A_182] : memref<125000x8x64xf32, #tpu.memory_space<hbm>> -> memref<1x1x64xf32, #tpu.memory_space<hbm>>
      %dma_start3A_184 = tpu.memref_squeeze %dma_start3A_183 : memref<1x1x64xf32, #tpu.memory_space<hbm>> -> memref<64xf32, #tpu.memory_space<hbm>>
      tpu.enqueue_dma source(%dma_start3A_184 : memref<64xf32, #tpu.memory_space<hbm>>) target(%dma_start3A_181 : memref<64xf32, #tpu.memory_space<vmem>>) target_semaphore(%arg7 : memref<!tpu.dma_semaphore, #tpu.memory_space<semaphore_mem>>)
      %slice3A_185 = vector.extract_strided_slice %get3A_13 {offsets = [8], sizes = [1], strides = [1]} : vector<16xi32> to vector<1xi32>
      %squeeze3A_186 = vector.extract %slice3A_185[0] : i32 from vector<1xi32>
      %shift_right_arithmetic3A_187 = arith.constant 3 : i32
      %shift_right_arithmetic3A_188 = arith.shrsi %squeeze3A_186, %shift_right_arithmetic3A_187 : i32
      %and3A_189 = arith.constant 7 : i32
      %and3A_190 = arith.andi %squeeze3A_186, %and3A_189 : i32
      %mul3A_191 = arith.constant 16 : i32
      %mul3A_192 = arith.muli %scan3A_8, %mul3A_191 : i32
      %add3A_193 = arith.constant 4 : i32
      %add3A_194 = arith.addi %mul3A_192, %add3A_193 : i32
      %dma_start3A_195 = arith.constant 0 : i32
      %dma_start3A_196 = tpu.memref_slice %arg6[%add3A_194, %dma_start3A_195] : memref<512x128xf32, #tpu.memory_space<vmem>> -> memref<1x64xf32, #tpu.memory_space<vmem>>
      %dma_start3A_197 = tpu.memref_squeeze %dma_start3A_196 : memref<1x64xf32, #tpu.memory_space<vmem>> -> memref<64xf32, #tpu.memory_space<vmem>>
      %dma_start3A_198 = arith.constant 0 : i32
      %dma_start3A_199 = tpu.memref_slice %arg2[%shift_right_arithmetic3A_188, %and3A_190, %dma_start3A_198] : memref<125000x8x64xf32, #tpu.memory_space<hbm>> -> memref<1x1x64xf32, #tpu.memory_space<hbm>>
      %dma_start3A_200 = tpu.memref_squeeze %dma_start3A_199 : memref<1x1x64xf32, #tpu.memory_space<hbm>> -> memref<64xf32, #tpu.memory_space<hbm>>
      %dma_start3A_201 = arith.constant 0 : i32
      %dma_start3A_202 = tpu.memref_slice %arg6[%add3A_194, %dma_start3A_201] : memref<512x128xf32, #tpu.memory_space<vmem>> -> memref<1x64xf32, #tpu.memory_space<vmem>>
      %dma_start3A_203 = tpu.memref_squeeze %dma_start3A_202 : memref<1x64xf32, #tpu.memory_space<vmem>> -> memref<64xf32, #tpu.memory_space<vmem>>
      %dma_start3A_204 = arith.constant 0 : i32
      %dma_start3A_205 = tpu.memref_slice %arg2[%shift_right_arithmetic3A_188, %and3A_190, %dma_start3A_204] : memref<125000x8x64xf32, #tpu.memory_space<hbm>> -> memref<1x1x64xf32, #tpu.memory_space<hbm>>
      %dma_start3A_206 = tpu.memref_squeeze %dma_start3A_205 : memref<1x1x64xf32, #tpu.memory_space<hbm>> -> memref<64xf32, #tpu.memory_space<hbm>>
      tpu.enqueue_dma source(%dma_start3A_206 : memref<64xf32, #tpu.memory_space<hbm>>) target(%dma_start3A_203 : memref<64xf32, #tpu.memory_space<vmem>>) target_semaphore(%arg7 : memref<!tpu.dma_semaphore, #tpu.memory_space<semaphore_mem>>)
      %slice3A_207 = vector.extract_strided_slice %get3A_13 {offsets = [9], sizes = [1], strides = [1]} : vector<16xi32> to vector<1xi32>
      %squeeze3A_208 = vector.extract %slice3A_207[0] : i32 from vector<1xi32>
      %shift_right_arithmetic3A_209 = arith.constant 3 : i32
      %shift_right_arithmetic3A_210 = arith.shrsi %squeeze3A_208, %shift_right_arithmetic3A_209 : i32
      %and3A_211 = arith.constant 7 : i32
      %and3A_212 = arith.andi %squeeze3A_208, %and3A_211 : i32
      %mul3A_213 = arith.constant 16 : i32
      %mul3A_214 = arith.muli %scan3A_8, %mul3A_213 : i32
      %add3A_215 = arith.constant 4 : i32
      %add3A_216 = arith.addi %mul3A_214, %add3A_215 : i32
      %dma_start3A_217 = arith.constant 64 : i32
      %dma_start3A_218 = tpu.memref_slice %arg6[%add3A_216, %dma_start3A_217] : memref<512x128xf32, #tpu.memory_space<vmem>> -> memref<1x64xf32, #tpu.memory_space<vmem>>
      %dma_start3A_219 = tpu.memref_squeeze %dma_start3A_218 : memref<1x64xf32, #tpu.memory_space<vmem>> -> memref<64xf32, #tpu.memory_space<vmem>>
      %dma_start3A_220 = arith.constant 0 : i32
      %dma_start3A_221 = tpu.memref_slice %arg2[%shift_right_arithmetic3A_210, %and3A_212, %dma_start3A_220] : memref<125000x8x64xf32, #tpu.memory_space<hbm>> -> memref<1x1x64xf32, #tpu.memory_space<hbm>>
      %dma_start3A_222 = tpu.memref_squeeze %dma_start3A_221 : memref<1x1x64xf32, #tpu.memory_space<hbm>> -> memref<64xf32, #tpu.memory_space<hbm>>
      %dma_start3A_223 = arith.constant 64 : i32
      %dma_start3A_224 = tpu.memref_slice %arg6[%add3A_216, %dma_start3A_223] : memref<512x128xf32, #tpu.memory_space<vmem>> -> memref<1x64xf32, #tpu.memory_space<vmem>>
      %dma_start3A_225 = tpu.memref_squeeze %dma_start3A_224 : memref<1x64xf32, #tpu.memory_space<vmem>> -> memref<64xf32, #tpu.memory_space<vmem>>
      %dma_start3A_226 = arith.constant 0 : i32
      %dma_start3A_227 = tpu.memref_slice %arg2[%shift_right_arithmetic3A_210, %and3A_212, %dma_start3A_226] : memref<125000x8x64xf32, #tpu.memory_space<hbm>> -> memref<1x1x64xf32, #tpu.memory_space<hbm>>
      %dma_start3A_228 = tpu.memref_squeeze %dma_start3A_227 : memref<1x1x64xf32, #tpu.memory_space<hbm>> -> memref<64xf32, #tpu.memory_space<hbm>>
      tpu.enqueue_dma source(%dma_start3A_228 : memref<64xf32, #tpu.memory_space<hbm>>) target(%dma_start3A_225 : memref<64xf32, #tpu.memory_space<vmem>>) target_semaphore(%arg7 : memref<!tpu.dma_semaphore, #tpu.memory_space<semaphore_mem>>)
      %slice3A_229 = vector.extract_strided_slice %get3A_13 {offsets = [10], sizes = [1], strides = [1]} : vector<16xi32> to vector<1xi32>
      %squeeze3A_230 = vector.extract %slice3A_229[0] : i32 from vector<1xi32>
      %shift_right_arithmetic3A_231 = arith.constant 3 : i32
      %shift_right_arithmetic3A_232 = arith.shrsi %squeeze3A_230, %shift_right_arithmetic3A_231 : i32
      %and3A_233 = arith.constant 7 : i32
      %and3A_234 = arith.andi %squeeze3A_230, %and3A_233 : i32
      %mul3A_235 = arith.constant 16 : i32
      %mul3A_236 = arith.muli %scan3A_8, %mul3A_235 : i32
      %add3A_237 = arith.constant 5 : i32
      %add3A_238 = arith.addi %mul3A_236, %add3A_237 : i32
      %dma_start3A_239 = arith.constant 0 : i32
      %dma_start3A_240 = tpu.memref_slice %arg6[%add3A_238, %dma_start3A_239] : memref<512x128xf32, #tpu.memory_space<vmem>> -> memref<1x64xf32, #tpu.memory_space<vmem>>
      %dma_start3A_241 = tpu.memref_squeeze %dma_start3A_240 : memref<1x64xf32, #tpu.memory_space<vmem>> -> memref<64xf32, #tpu.memory_space<vmem>>
      %dma_start3A_242 = arith.constant 0 : i32
      %dma_start3A_243 = tpu.memref_slice %arg2[%shift_right_arithmetic3A_232, %and3A_234, %dma_start3A_242] : memref<125000x8x64xf32, #tpu.memory_space<hbm>> -> memref<1x1x64xf32, #tpu.memory_space<hbm>>
      %dma_start3A_244 = tpu.memref_squeeze %dma_start3A_243 : memref<1x1x64xf32, #tpu.memory_space<hbm>> -> memref<64xf32, #tpu.memory_space<hbm>>
      %dma_start3A_245 = arith.constant 0 : i32
      %dma_start3A_246 = tpu.memref_slice %arg6[%add3A_238, %dma_start3A_245] : memref<512x128xf32, #tpu.memory_space<vmem>> -> memref<1x64xf32, #tpu.memory_space<vmem>>
      %dma_start3A_247 = tpu.memref_squeeze %dma_start3A_246 : memref<1x64xf32, #tpu.memory_space<vmem>> -> memref<64xf32, #tpu.memory_space<vmem>>
      %dma_start3A_248 = arith.constant 0 : i32
      %dma_start3A_249 = tpu.memref_slice %arg2[%shift_right_arithmetic3A_232, %and3A_234, %dma_start3A_248] : memref<125000x8x64xf32, #tpu.memory_space<hbm>> -> memref<1x1x64xf32, #tpu.memory_space<hbm>>
      %dma_start3A_250 = tpu.memref_squeeze %dma_start3A_249 : memref<1x1x64xf32, #tpu.memory_space<hbm>> -> memref<64xf32, #tpu.memory_space<hbm>>
      tpu.enqueue_dma source(%dma_start3A_250 : memref<64xf32, #tpu.memory_space<hbm>>) target(%dma_start3A_247 : memref<64xf32, #tpu.memory_space<vmem>>) target_semaphore(%arg7 : memref<!tpu.dma_semaphore, #tpu.memory_space<semaphore_mem>>)
      %slice3A_251 = vector.extract_strided_slice %get3A_13 {offsets = [11], sizes = [1], strides = [1]} : vector<16xi32> to vector<1xi32>
      %squeeze3A_252 = vector.extract %slice3A_251[0] : i32 from vector<1xi32>
      %shift_right_arithmetic3A_253 = arith.constant 3 : i32
      %shift_right_arithmetic3A_254 = arith.shrsi %squeeze3A_252, %shift_right_arithmetic3A_253 : i32
      %and3A_255 = arith.constant 7 : i32
      %and3A_256 = arith.andi %squeeze3A_252, %and3A_255 : i32
      %mul3A_257 = arith.constant 16 : i32
      %mul3A_258 = arith.muli %scan3A_8, %mul3A_257 : i32
      %add3A_259 = arith.constant 5 : i32
      %add3A_260 = arith.addi %mul3A_258, %add3A_259 : i32
      %dma_start3A_261 = arith.constant 64 : i32
      %dma_start3A_262 = tpu.memref_slice %arg6[%add3A_260, %dma_start3A_261] : memref<512x128xf32, #tpu.memory_space<vmem>> -> memref<1x64xf32, #tpu.memory_space<vmem>>
      %dma_start3A_263 = tpu.memref_squeeze %dma_start3A_262 : memref<1x64xf32, #tpu.memory_space<vmem>> -> memref<64xf32, #tpu.memory_space<vmem>>
      %dma_start3A_264 = arith.constant 0 : i32
      %dma_start3A_265 = tpu.memref_slice %arg2[%shift_right_arithmetic3A_254, %and3A_256, %dma_start3A_264] : memref<125000x8x64xf32, #tpu.memory_space<hbm>> -> memref<1x1x64xf32, #tpu.memory_space<hbm>>
      %dma_start3A_266 = tpu.memref_squeeze %dma_start3A_265 : memref<1x1x64xf32, #tpu.memory_space<hbm>> -> memref<64xf32, #tpu.memory_space<hbm>>
      %dma_start3A_267 = arith.constant 64 : i32
      %dma_start3A_268 = tpu.memref_slice %arg6[%add3A_260, %dma_start3A_267] : memref<512x128xf32, #tpu.memory_space<vmem>> -> memref<1x64xf32, #tpu.memory_space<vmem>>
      %dma_start3A_269 = tpu.memref_squeeze %dma_start3A_268 : memref<1x64xf32, #tpu.memory_space<vmem>> -> memref<64xf32, #tpu.memory_space<vmem>>
      %dma_start3A_270 = arith.constant 0 : i32
      %dma_start3A_271 = tpu.memref_slice %arg2[%shift_right_arithmetic3A_254, %and3A_256, %dma_start3A_270] : memref<125000x8x64xf32, #tpu.memory_space<hbm>> -> memref<1x1x64xf32, #tpu.memory_space<hbm>>
      %dma_start3A_272 = tpu.memref_squeeze %dma_start3A_271 : memref<1x1x64xf32, #tpu.memory_space<hbm>> -> memref<64xf32, #tpu.memory_space<hbm>>
      tpu.enqueue_dma source(%dma_start3A_272 : memref<64xf32, #tpu.memory_space<hbm>>) target(%dma_start3A_269 : memref<64xf32, #tpu.memory_space<vmem>>) target_semaphore(%arg7 : memref<!tpu.dma_semaphore, #tpu.memory_space<semaphore_mem>>)
      %slice3A_273 = vector.extract_strided_slice %get3A_13 {offsets = [12], sizes = [1], strides = [1]} : vector<16xi32> to vector<1xi32>
      %squeeze3A_274 = vector.extract %slice3A_273[0] : i32 from vector<1xi32>
      %shift_right_arithmetic3A_275 = arith.constant 3 : i32
      %shift_right_arithmetic3A_276 = arith.shrsi %squeeze3A_274, %shift_right_arithmetic3A_275 : i32
      %and3A_277 = arith.constant 7 : i32
      %and3A_278 = arith.andi %squeeze3A_274, %and3A_277 : i32
      %mul3A_279 = arith.constant 16 : i32
      %mul3A_280 = arith.muli %scan3A_8, %mul3A_279 : i32
      %add3A_281 = arith.constant 6 : i32
      %add3A_282 = arith.addi %mul3A_280, %add3A_281 : i32
      %dma_start3A_283 = arith.constant 0 : i32
      %dma_start3A_284 = tpu.memref_slice %arg6[%add3A_282, %dma_start3A_283] : memref<512x128xf32, #tpu.memory_space<vmem>> -> memref<1x64xf32, #tpu.memory_space<vmem>>
      %dma_start3A_285 = tpu.memref_squeeze %dma_start3A_284 : memref<1x64xf32, #tpu.memory_space<vmem>> -> memref<64xf32, #tpu.memory_space<vmem>>
      %dma_start3A_286 = arith.constant 0 : i32
      %dma_start3A_287 = tpu.memref_slice %arg2[%shift_right_arithmetic3A_276, %and3A_278, %dma_start3A_286] : memref<125000x8x64xf32, #tpu.memory_space<hbm>> -> memref<1x1x64xf32, #tpu.memory_space<hbm>>
      %dma_start3A_288 = tpu.memref_squeeze %dma_start3A_287 : memref<1x1x64xf32, #tpu.memory_space<hbm>> -> memref<64xf32, #tpu.memory_space<hbm>>
      %dma_start3A_289 = arith.constant 0 : i32
      %dma_start3A_290 = tpu.memref_slice %arg6[%add3A_282, %dma_start3A_289] : memref<512x128xf32, #tpu.memory_space<vmem>> -> memref<1x64xf32, #tpu.memory_space<vmem>>
      %dma_start3A_291 = tpu.memref_squeeze %dma_start3A_290 : memref<1x64xf32, #tpu.memory_space<vmem>> -> memref<64xf32, #tpu.memory_space<vmem>>
      %dma_start3A_292 = arith.constant 0 : i32
      %dma_start3A_293 = tpu.memref_slice %arg2[%shift_right_arithmetic3A_276, %and3A_278, %dma_start3A_292] : memref<125000x8x64xf32, #tpu.memory_space<hbm>> -> memref<1x1x64xf32, #tpu.memory_space<hbm>>
      %dma_start3A_294 = tpu.memref_squeeze %dma_start3A_293 : memref<1x1x64xf32, #tpu.memory_space<hbm>> -> memref<64xf32, #tpu.memory_space<hbm>>
      tpu.enqueue_dma source(%dma_start3A_294 : memref<64xf32, #tpu.memory_space<hbm>>) target(%dma_start3A_291 : memref<64xf32, #tpu.memory_space<vmem>>) target_semaphore(%arg7 : memref<!tpu.dma_semaphore, #tpu.memory_space<semaphore_mem>>)
      %slice3A_295 = vector.extract_strided_slice %get3A_13 {offsets = [13], sizes = [1], strides = [1]} : vector<16xi32> to vector<1xi32>
      %squeeze3A_296 = vector.extract %slice3A_295[0] : i32 from vector<1xi32>
      %shift_right_arithmetic3A_297 = arith.constant 3 : i32
      %shift_right_arithmetic3A_298 = arith.shrsi %squeeze3A_296, %shift_right_arithmetic3A_297 : i32
      %and3A_299 = arith.constant 7 : i32
      %and3A_300 = arith.andi %squeeze3A_296, %and3A_299 : i32
      %mul3A_301 = arith.constant 16 : i32
      %mul3A_302 = arith.muli %scan3A_8, %mul3A_301 : i32
      %add3A_303 = arith.constant 6 : i32
      %add3A_304 = arith.addi %mul3A_302, %add3A_303 : i32
      %dma_start3A_305 = arith.constant 64 : i32
      %dma_start3A_306 = tpu.memref_slice %arg6[%add3A_304, %dma_start3A_305] : memref<512x128xf32, #tpu.memory_space<vmem>> -> memref<1x64xf32, #tpu.memory_space<vmem>>
      %dma_start3A_307 = tpu.memref_squeeze %dma_start3A_306 : memref<1x64xf32, #tpu.memory_space<vmem>> -> memref<64xf32, #tpu.memory_space<vmem>>
      %dma_start3A_308 = arith.constant 0 : i32
      %dma_start3A_309 = tpu.memref_slice %arg2[%shift_right_arithmetic3A_298, %and3A_300, %dma_start3A_308] : memref<125000x8x64xf32, #tpu.memory_space<hbm>> -> memref<1x1x64xf32, #tpu.memory_space<hbm>>
      %dma_start3A_310 = tpu.memref_squeeze %dma_start3A_309 : memref<1x1x64xf32, #tpu.memory_space<hbm>> -> memref<64xf32, #tpu.memory_space<hbm>>
      %dma_start3A_311 = arith.constant 64 : i32
      %dma_start3A_312 = tpu.memref_slice %arg6[%add3A_304, %dma_start3A_311] : memref<512x128xf32, #tpu.memory_space<vmem>> -> memref<1x64xf32, #tpu.memory_space<vmem>>
      %dma_start3A_313 = tpu.memref_squeeze %dma_start3A_312 : memref<1x64xf32, #tpu.memory_space<vmem>> -> memref<64xf32, #tpu.memory_space<vmem>>
      %dma_start3A_314 = arith.constant 0 : i32
      %dma_start3A_315 = tpu.memref_slice %arg2[%shift_right_arithmetic3A_298, %and3A_300, %dma_start3A_314] : memref<125000x8x64xf32, #tpu.memory_space<hbm>> -> memref<1x1x64xf32, #tpu.memory_space<hbm>>
      %dma_start3A_316 = tpu.memref_squeeze %dma_start3A_315 : memref<1x1x64xf32, #tpu.memory_space<hbm>> -> memref<64xf32, #tpu.memory_space<hbm>>
      tpu.enqueue_dma source(%dma_start3A_316 : memref<64xf32, #tpu.memory_space<hbm>>) target(%dma_start3A_313 : memref<64xf32, #tpu.memory_space<vmem>>) target_semaphore(%arg7 : memref<!tpu.dma_semaphore, #tpu.memory_space<semaphore_mem>>)
      %slice3A_317 = vector.extract_strided_slice %get3A_13 {offsets = [14], sizes = [1], strides = [1]} : vector<16xi32> to vector<1xi32>
      %squeeze3A_318 = vector.extract %slice3A_317[0] : i32 from vector<1xi32>
      %shift_right_arithmetic3A_319 = arith.constant 3 : i32
      %shift_right_arithmetic3A_320 = arith.shrsi %squeeze3A_318, %shift_right_arithmetic3A_319 : i32
      %and3A_321 = arith.constant 7 : i32
      %and3A_322 = arith.andi %squeeze3A_318, %and3A_321 : i32
      %mul3A_323 = arith.constant 16 : i32
      %mul3A_324 = arith.muli %scan3A_8, %mul3A_323 : i32
      %add3A_325 = arith.constant 7 : i32
      %add3A_326 = arith.addi %mul3A_324, %add3A_325 : i32
      %dma_start3A_327 = arith.constant 0 : i32
      %dma_start3A_328 = tpu.memref_slice %arg6[%add3A_326, %dma_start3A_327] : memref<512x128xf32, #tpu.memory_space<vmem>> -> memref<1x64xf32, #tpu.memory_space<vmem>>
      %dma_start3A_329 = tpu.memref_squeeze %dma_start3A_328 : memref<1x64xf32, #tpu.memory_space<vmem>> -> memref<64xf32, #tpu.memory_space<vmem>>
      %dma_start3A_330 = arith.constant 0 : i32
      %dma_start3A_331 = tpu.memref_slice %arg2[%shift_right_arithmetic3A_320, %and3A_322, %dma_start3A_330] : memref<125000x8x64xf32, #tpu.memory_space<hbm>> -> memref<1x1x64xf32, #tpu.memory_space<hbm>>
      %dma_start3A_332 = tpu.memref_squeeze %dma_start3A_331 : memref<1x1x64xf32, #tpu.memory_space<hbm>> -> memref<64xf32, #tpu.memory_space<hbm>>
      %dma_start3A_333 = arith.constant 0 : i32
      %dma_start3A_334 = tpu.memref_slice %arg6[%add3A_326, %dma_start3A_333] : memref<512x128xf32, #tpu.memory_space<vmem>> -> memref<1x64xf32, #tpu.memory_space<vmem>>
      %dma_start3A_335 = tpu.memref_squeeze %dma_start3A_334 : memref<1x64xf32, #tpu.memory_space<vmem>> -> memref<64xf32, #tpu.memory_space<vmem>>
      %dma_start3A_336 = arith.constant 0 : i32
      %dma_start3A_337 = tpu.memref_slice %arg2[%shift_right_arithmetic3A_320, %and3A_322, %dma_start3A_336] : memref<125000x8x64xf32, #tpu.memory_space<hbm>> -> memref<1x1x64xf32, #tpu.memory_space<hbm>>
      %dma_start3A_338 = tpu.memref_squeeze %dma_start3A_337 : memref<1x1x64xf32, #tpu.memory_space<hbm>> -> memref<64xf32, #tpu.memory_space<hbm>>
      tpu.enqueue_dma source(%dma_start3A_338 : memref<64xf32, #tpu.memory_space<hbm>>) target(%dma_start3A_335 : memref<64xf32, #tpu.memory_space<vmem>>) target_semaphore(%arg7 : memref<!tpu.dma_semaphore, #tpu.memory_space<semaphore_mem>>)
      %slice3A_339 = vector.extract_strided_slice %get3A_13 {offsets = [15], sizes = [1], strides = [1]} : vector<16xi32> to vector<1xi32>
      %squeeze3A_340 = vector.extract %slice3A_339[0] : i32 from vector<1xi32>
      %shift_right_arithmetic3A_341 = arith.constant 3 : i32
      %shift_right_arithmetic3A_342 = arith.shrsi %squeeze3A_340, %shift_right_arithmetic3A_341 : i32
      %and3A_343 = arith.constant 7 : i32
      %and3A_344 = arith.andi %squeeze3A_340, %and3A_343 : i32
      %mul3A_345 = arith.constant 16 : i32
      %mul3A_346 = arith.muli %scan3A_8, %mul3A_345 : i32
      %add3A_347 = arith.constant 7 : i32
      %add3A_348 = arith.addi %mul3A_346, %add3A_347 : i32
      %dma_start3A_349 = arith.constant 64 : i32
      %dma_start3A_350 = tpu.memref_slice %arg6[%add3A_348, %dma_start3A_349] : memref<512x128xf32, #tpu.memory_space<vmem>> -> memref<1x64xf32, #tpu.memory_space<vmem>>
      %dma_start3A_351 = tpu.memref_squeeze %dma_start3A_350 : memref<1x64xf32, #tpu.memory_space<vmem>> -> memref<64xf32, #tpu.memory_space<vmem>>
      %dma_start3A_352 = arith.constant 0 : i32
      %dma_start3A_353 = tpu.memref_slice %arg2[%shift_right_arithmetic3A_342, %and3A_344, %dma_start3A_352] : memref<125000x8x64xf32, #tpu.memory_space<hbm>> -> memref<1x1x64xf32, #tpu.memory_space<hbm>>
      %dma_start3A_354 = tpu.memref_squeeze %dma_start3A_353 : memref<1x1x64xf32, #tpu.memory_space<hbm>> -> memref<64xf32, #tpu.memory_space<hbm>>
      %dma_start3A_355 = arith.constant 64 : i32
      %dma_start3A_356 = tpu.memref_slice %arg6[%add3A_348, %dma_start3A_355] : memref<512x128xf32, #tpu.memory_space<vmem>> -> memref<1x64xf32, #tpu.memory_space<vmem>>
      %dma_start3A_357 = tpu.memref_squeeze %dma_start3A_356 : memref<1x64xf32, #tpu.memory_space<vmem>> -> memref<64xf32, #tpu.memory_space<vmem>>
      %dma_start3A_358 = arith.constant 0 : i32
      %dma_start3A_359 = tpu.memref_slice %arg2[%shift_right_arithmetic3A_342, %and3A_344, %dma_start3A_358] : memref<125000x8x64xf32, #tpu.memory_space<hbm>> -> memref<1x1x64xf32, #tpu.memory_space<hbm>>
      %dma_start3A_360 = tpu.memref_squeeze %dma_start3A_359 : memref<1x1x64xf32, #tpu.memory_space<hbm>> -> memref<64xf32, #tpu.memory_space<hbm>>
      tpu.enqueue_dma source(%dma_start3A_360 : memref<64xf32, #tpu.memory_space<hbm>>) target(%dma_start3A_357 : memref<64xf32, #tpu.memory_space<vmem>>) target_semaphore(%arg7 : memref<!tpu.dma_semaphore, #tpu.memory_space<semaphore_mem>>)
      %mul3A_361 = arith.constant 32 : i32
      %mul3A_362 = arith.muli %scan3A_8, %mul3A_361 : i32
      %add3A_363 = arith.constant 16 : i32
      %add3A_364 = arith.addi %mul3A_362, %add3A_363 : i32
      %get3A_365 = arith.index_cast %add3A_364 : i32 to index
      %get3A_366 = tpu.vector_load %arg5[%get3A_365] {strides = array<i32>} : memref<1024xi32, #tpu.memory_space<vmem>>, vector<16xi32>,
      %slice3A_367 = vector.extract_strided_slice %get3A_366 {offsets = [0], sizes = [1], strides = [1]} : vector<16xi32> to vector<1xi32>
      %squeeze3A_368 = vector.extract %slice3A_367[0] : i32 from vector<1xi32>
      %shift_right_arithmetic3A_369 = arith.constant 3 : i32
      %shift_right_arithmetic3A_370 = arith.shrsi %squeeze3A_368, %shift_right_arithmetic3A_369 : i32
      %and3A_371 = arith.constant 7 : i32
      %and3A_372 = arith.andi %squeeze3A_368, %and3A_371 : i32
      %mul3A_373 = arith.constant 16 : i32
      %mul3A_374 = arith.muli %scan3A_8, %mul3A_373 : i32
      %add3A_375 = arith.constant 8 : i32
      %add3A_376 = arith.addi %mul3A_374, %add3A_375 : i32
      %dma_start3A_377 = arith.constant 0 : i32
      %dma_start3A_378 = tpu.memref_slice %arg6[%add3A_376, %dma_start3A_377] : memref<512x128xf32, #tpu.memory_space<vmem>> -> memref<1x64xf32, #tpu.memory_space<vmem>>
      %dma_start3A_379 = tpu.memref_squeeze %dma_start3A_378 : memref<1x64xf32, #tpu.memory_space<vmem>> -> memref<64xf32, #tpu.memory_space<vmem>>
      %dma_start3A_380 = arith.constant 0 : i32
      %dma_start3A_381 = tpu.memref_slice %arg2[%shift_right_arithmetic3A_370, %and3A_372, %dma_start3A_380] : memref<125000x8x64xf32, #tpu.memory_space<hbm>> -> memref<1x1x64xf32, #tpu.memory_space<hbm>>
      %dma_start3A_382 = tpu.memref_squeeze %dma_start3A_381 : memref<1x1x64xf32, #tpu.memory_space<hbm>> -> memref<64xf32, #tpu.memory_space<hbm>>
      %dma_start3A_383 = arith.constant 0 : i32
      %dma_start3A_384 = tpu.memref_slice %arg6[%add3A_376, %dma_start3A_383] : memref<512x128xf32, #tpu.memory_space<vmem>> -> memref<1x64xf32, #tpu.memory_space<vmem>>
      %dma_start3A_385 = tpu.memref_squeeze %dma_start3A_384 : memref<1x64xf32, #tpu.memory_space<vmem>> -> memref<64xf32, #tpu.memory_space<vmem>>
      %dma_start3A_386 = arith.constant 0 : i32
      %dma_start3A_387 = tpu.memref_slice %arg2[%shift_right_arithmetic3A_370, %and3A_372, %dma_start3A_386] : memref<125000x8x64xf32, #tpu.memory_space<hbm>> -> memref<1x1x64xf32, #tpu.memory_space<hbm>>
      %dma_start3A_388 = tpu.memref_squeeze %dma_start3A_387 : memref<1x1x64xf32, #tpu.memory_space<hbm>> -> memref<64xf32, #tpu.memory_space<hbm>>
      tpu.enqueue_dma source(%dma_start3A_388 : memref<64xf32, #tpu.memory_space<hbm>>) target(%dma_start3A_385 : memref<64xf32, #tpu.memory_space<vmem>>) target_semaphore(%arg7 : memref<!tpu.dma_semaphore, #tpu.memory_space<semaphore_mem>>)
      %slice3A_389 = vector.extract_strided_slice %get3A_366 {offsets = [1], sizes = [1], strides = [1]} : vector<16xi32> to vector<1xi32>
      %squeeze3A_390 = vector.extract %slice3A_389[0] : i32 from vector<1xi32>
      %shift_right_arithmetic3A_391 = arith.constant 3 : i32
      %shift_right_arithmetic3A_392 = arith.shrsi %squeeze3A_390, %shift_right_arithmetic3A_391 : i32
      %and3A_393 = arith.constant 7 : i32
      %and3A_394 = arith.andi %squeeze3A_390, %and3A_393 : i32
      %mul3A_395 = arith.constant 16 : i32
      %mul3A_396 = arith.muli %scan3A_8, %mul3A_395 : i32
      %add3A_397 = arith.constant 8 : i32
      %add3A_398 = arith.addi %mul3A_396, %add3A_397 : i32
      %dma_start3A_399 = arith.constant 64 : i32
      %dma_start3A_400 = tpu.memref_slice %arg6[%add3A_398, %dma_start3A_399] : memref<512x128xf32, #tpu.memory_space<vmem>> -> memref<1x64xf32, #tpu.memory_space<vmem>>
      %dma_start3A_401 = tpu.memref_squeeze %dma_start3A_400 : memref<1x64xf32, #tpu.memory_space<vmem>> -> memref<64xf32, #tpu.memory_space<vmem>>
      %dma_start3A_402 = arith.constant 0 : i32
      %dma_start3A_403 = tpu.memref_slice %arg2[%shift_right_arithmetic3A_392, %and3A_394, %dma_start3A_402] : memref<125000x8x64xf32, #tpu.memory_space<hbm>> -> memref<1x1x64xf32, #tpu.memory_space<hbm>>
      %dma_start3A_404 = tpu.memref_squeeze %dma_start3A_403 : memref<1x1x64xf32, #tpu.memory_space<hbm>> -> memref<64xf32, #tpu.memory_space<hbm>>
      %dma_start3A_405 = arith.constant 64 : i32
      %dma_start3A_406 = tpu.memref_slice %arg6[%add3A_398, %dma_start3A_405] : memref<512x128xf32, #tpu.memory_space<vmem>> -> memref<1x64xf32, #tpu.memory_space<vmem>>
      %dma_start3A_407 = tpu.memref_squeeze %dma_start3A_406 : memref<1x64xf32, #tpu.memory_space<vmem>> -> memref<64xf32, #tpu.memory_space<vmem>>
      %dma_start3A_408 = arith.constant 0 : i32
      %dma_start3A_409 = tpu.memref_slice %arg2[%shift_right_arithmetic3A_392, %and3A_394, %dma_start3A_408] : memref<125000x8x64xf32, #tpu.memory_space<hbm>> -> memref<1x1x64xf32, #tpu.memory_space<hbm>>
      %dma_start3A_410 = tpu.memref_squeeze %dma_start3A_409 : memref<1x1x64xf32, #tpu.memory_space<hbm>> -> memref<64xf32, #tpu.memory_space<hbm>>
      tpu.enqueue_dma source(%dma_start3A_410 : memref<64xf32, #tpu.memory_space<hbm>>) target(%dma_start3A_407 : memref<64xf32, #tpu.memory_space<vmem>>) target_semaphore(%arg7 : memref<!tpu.dma_semaphore, #tpu.memory_space<semaphore_mem>>)
      %slice3A_411 = vector.extract_strided_slice %get3A_366 {offsets = [2], sizes = [1], strides = [1]} : vector<16xi32> to vector<1xi32>
      %squeeze3A_412 = vector.extract %slice3A_411[0] : i32 from vector<1xi32>
      %shift_right_arithmetic3A_413 = arith.constant 3 : i32
      %shift_right_arithmetic3A_414 = arith.shrsi %squeeze3A_412, %shift_right_arithmetic3A_413 : i32
      %and3A_415 = arith.constant 7 : i32
      %and3A_416 = arith.andi %squeeze3A_412, %and3A_415 : i32
      %mul3A_417 = arith.constant 16 : i32
      %mul3A_418 = arith.muli %scan3A_8, %mul3A_417 : i32
      %add3A_419 = arith.constant 9 : i32
      %add3A_420 = arith.addi %mul3A_418, %add3A_419 : i32
      %dma_start3A_421 = arith.constant 0 : i32
      %dma_start3A_422 = tpu.memref_slice %arg6[%add3A_420, %dma_start3A_421] : memref<512x128xf32, #tpu.memory_space<vmem>> -> memref<1x64xf32, #tpu.memory_space<vmem>>
      %dma_start3A_423 = tpu.memref_squeeze %dma_start3A_422 : memref<1x64xf32, #tpu.memory_space<vmem>> -> memref<64xf32, #tpu.memory_space<vmem>>
      %dma_start3A_424 = arith.constant 0 : i32
      %dma_start3A_425 = tpu.memref_slice %arg2[%shift_right_arithmetic3A_414, %and3A_416, %dma_start3A_424] : memref<125000x8x64xf32, #tpu.memory_space<hbm>> -> memref<1x1x64xf32, #tpu.memory_space<hbm>>
      %dma_start3A_426 = tpu.memref_squeeze %dma_start3A_425 : memref<1x1x64xf32, #tpu.memory_space<hbm>> -> memref<64xf32, #tpu.memory_space<hbm>>
      %dma_start3A_427 = arith.constant 0 : i32
      %dma_start3A_428 = tpu.memref_slice %arg6[%add3A_420, %dma_start3A_427] : memref<512x128xf32, #tpu.memory_space<vmem>> -> memref<1x64xf32, #tpu.memory_space<vmem>>
      %dma_start3A_429 = tpu.memref_squeeze %dma_start3A_428 : memref<1x64xf32, #tpu.memory_space<vmem>> -> memref<64xf32, #tpu.memory_space<vmem>>
      %dma_start3A_430 = arith.constant 0 : i32
      %dma_start3A_431 = tpu.memref_slice %arg2[%shift_right_arithmetic3A_414, %and3A_416, %dma_start3A_430] : memref<125000x8x64xf32, #tpu.memory_space<hbm>> -> memref<1x1x64xf32, #tpu.memory_space<hbm>>
      %dma_start3A_432 = tpu.memref_squeeze %dma_start3A_431 : memref<1x1x64xf32, #tpu.memory_space<hbm>> -> memref<64xf32, #tpu.memory_space<hbm>>
      tpu.enqueue_dma source(%dma_start3A_432 : memref<64xf32, #tpu.memory_space<hbm>>) target(%dma_start3A_429 : memref<64xf32, #tpu.memory_space<vmem>>) target_semaphore(%arg7 : memref<!tpu.dma_semaphore, #tpu.memory_space<semaphore_mem>>)
      %slice3A_433 = vector.extract_strided_slice %get3A_366 {offsets = [3], sizes = [1], strides = [1]} : vector<16xi32> to vector<1xi32>
      %squeeze3A_434 = vector.extract %slice3A_433[0] : i32 from vector<1xi32>
      %shift_right_arithmetic3A_435 = arith.constant 3 : i32
      %shift_right_arithmetic3A_436 = arith.shrsi %squeeze3A_434, %shift_right_arithmetic3A_435 : i32
      %and3A_437 = arith.constant 7 : i32
      %and3A_438 = arith.andi %squeeze3A_434, %and3A_437 : i32
      %mul3A_439 = arith.constant 16 : i32
      %mul3A_440 = arith.muli %scan3A_8, %mul3A_439 : i32
      %add3A_441 = arith.constant 9 : i32
      %add3A_442 = arith.addi %mul3A_440, %add3A_441 : i32
      %dma_start3A_443 = arith.constant 64 : i32
      %dma_start3A_444 = tpu.memref_slice %arg6[%add3A_442, %dma_start3A_443] : memref<512x128xf32, #tpu.memory_space<vmem>> -> memref<1x64xf32, #tpu.memory_space<vmem>>
      %dma_start3A_445 = tpu.memref_squeeze %dma_start3A_444 : memref<1x64xf32, #tpu.memory_space<vmem>> -> memref<64xf32, #tpu.memory_space<vmem>>
      %dma_start3A_446 = arith.constant 0 : i32
      %dma_start3A_447 = tpu.memref_slice %arg2[%shift_right_arithmetic3A_436, %and3A_438, %dma_start3A_446] : memref<125000x8x64xf32, #tpu.memory_space<hbm>> -> memref<1x1x64xf32, #tpu.memory_space<hbm>>
      %dma_start3A_448 = tpu.memref_squeeze %dma_start3A_447 : memref<1x1x64xf32, #tpu.memory_space<hbm>> -> memref<64xf32, #tpu.memory_space<hbm>>
      %dma_start3A_449 = arith.constant 64 : i32
      %dma_start3A_450 = tpu.memref_slice %arg6[%add3A_442, %dma_start3A_449] : memref<512x128xf32, #tpu.memory_space<vmem>> -> memref<1x64xf32, #tpu.memory_space<vmem>>
      %dma_start3A_451 = tpu.memref_squeeze %dma_start3A_450 : memref<1x64xf32, #tpu.memory_space<vmem>> -> memref<64xf32, #tpu.memory_space<vmem>>
      %dma_start3A_452 = arith.constant 0 : i32
      %dma_start3A_453 = tpu.memref_slice %arg2[%shift_right_arithmetic3A_436, %and3A_438, %dma_start3A_452] : memref<125000x8x64xf32, #tpu.memory_space<hbm>> -> memref<1x1x64xf32, #tpu.memory_space<hbm>>
      %dma_start3A_454 = tpu.memref_squeeze %dma_start3A_453 : memref<1x1x64xf32, #tpu.memory_space<hbm>> -> memref<64xf32, #tpu.memory_space<hbm>>
      tpu.enqueue_dma source(%dma_start3A_454 : memref<64xf32, #tpu.memory_space<hbm>>) target(%dma_start3A_451 : memref<64xf32, #tpu.memory_space<vmem>>) target_semaphore(%arg7 : memref<!tpu.dma_semaphore, #tpu.memory_space<semaphore_mem>>)
      %slice3A_455 = vector.extract_strided_slice %get3A_366 {offsets = [4], sizes = [1], strides = [1]} : vector<16xi32> to vector<1xi32>
      %squeeze3A_456 = vector.extract %slice3A_455[0] : i32 from vector<1xi32>
      %shift_right_arithmetic3A_457 = arith.constant 3 : i32
      %shift_right_arithmetic3A_458 = arith.shrsi %squeeze3A_456, %shift_right_arithmetic3A_457 : i32
      %and3A_459 = arith.constant 7 : i32
      %and3A_460 = arith.andi %squeeze3A_456, %and3A_459 : i32
      %mul3A_461 = arith.constant 16 : i32
      %mul3A_462 = arith.muli %scan3A_8, %mul3A_461 : i32
      %add3A_463 = arith.constant 10 : i32
      %add3A_464 = arith.addi %mul3A_462, %add3A_463 : i32
      %dma_start3A_465 = arith.constant 0 : i32
      %dma_start3A_466 = tpu.memref_slice %arg6[%add3A_464, %dma_start3A_465] : memref<512x128xf32, #tpu.memory_space<vmem>> -> memref<1x64xf32, #tpu.memory_space<vmem>>
      %dma_start3A_467 = tpu.memref_squeeze %dma_start3A_466 : memref<1x64xf32, #tpu.memory_space<vmem>> -> memref<64xf32, #tpu.memory_space<vmem>>
      %dma_start3A_468 = arith.constant 0 : i32
      %dma_start3A_469 = tpu.memref_slice %arg2[%shift_right_arithmetic3A_458, %and3A_460, %dma_start3A_468] : memref<125000x8x64xf32, #tpu.memory_space<hbm>> -> memref<1x1x64xf32, #tpu.memory_space<hbm>>
      %dma_start3A_470 = tpu.memref_squeeze %dma_start3A_469 : memref<1x1x64xf32, #tpu.memory_space<hbm>> -> memref<64xf32, #tpu.memory_space<hbm>>
      %dma_start3A_471 = arith.constant 0 : i32
      %dma_start3A_472 = tpu.memref_slice %arg6[%add3A_464, %dma_start3A_471] : memref<512x128xf32, #tpu.memory_space<vmem>> -> memref<1x64xf32, #tpu.memory_space<vmem>>
      %dma_start3A_473 = tpu.memref_squeeze %dma_start3A_472 : memref<1x64xf32, #tpu.memory_space<vmem>> -> memref<64xf32, #tpu.memory_space<vmem>>
      %dma_start3A_474 = arith.constant 0 : i32
      %dma_start3A_475 = tpu.memref_slice %arg2[%shift_right_arithmetic3A_458, %and3A_460, %dma_start3A_474] : memref<125000x8x64xf32, #tpu.memory_space<hbm>> -> memref<1x1x64xf32, #tpu.memory_space<hbm>>
      %dma_start3A_476 = tpu.memref_squeeze %dma_start3A_475 : memref<1x1x64xf32, #tpu.memory_space<hbm>> -> memref<64xf32, #tpu.memory_space<hbm>>
      tpu.enqueue_dma source(%dma_start3A_476 : memref<64xf32, #tpu.memory_space<hbm>>) target(%dma_start3A_473 : memref<64xf32, #tpu.memory_space<vmem>>) target_semaphore(%arg7 : memref<!tpu.dma_semaphore, #tpu.memory_space<semaphore_mem>>)
      %slice3A_477 = vector.extract_strided_slice %get3A_366 {offsets = [5], sizes = [1], strides = [1]} : vector<16xi32> to vector<1xi32>
      %squeeze3A_478 = vector.extract %slice3A_477[0] : i32 from vector<1xi32>
      %shift_right_arithmetic3A_479 = arith.constant 3 : i32
      %shift_right_arithmetic3A_480 = arith.shrsi %squeeze3A_478, %shift_right_arithmetic3A_479 : i32
      %and3A_481 = arith.constant 7 : i32
      %and3A_482 = arith.andi %squeeze3A_478, %and3A_481 : i32
      %mul3A_483 = arith.constant 16 : i32
      %mul3A_484 = arith.muli %scan3A_8, %mul3A_483 : i32
      %add3A_485 = arith.constant 10 : i32
      %add3A_486 = arith.addi %mul3A_484, %add3A_485 : i32
      %dma_start3A_487 = arith.constant 64 : i32
      %dma_start3A_488 = tpu.memref_slice %arg6[%add3A_486, %dma_start3A_487] : memref<512x128xf32, #tpu.memory_space<vmem>> -> memref<1x64xf32, #tpu.memory_space<vmem>>
      %dma_start3A_489 = tpu.memref_squeeze %dma_start3A_488 : memref<1x64xf32, #tpu.memory_space<vmem>> -> memref<64xf32, #tpu.memory_space<vmem>>
      %dma_start3A_490 = arith.constant 0 : i32
      %dma_start3A_491 = tpu.memref_slice %arg2[%shift_right_arithmetic3A_480, %and3A_482, %dma_start3A_490] : memref<125000x8x64xf32, #tpu.memory_space<hbm>> -> memref<1x1x64xf32, #tpu.memory_space<hbm>>
      %dma_start3A_492 = tpu.memref_squeeze %dma_start3A_491 : memref<1x1x64xf32, #tpu.memory_space<hbm>> -> memref<64xf32, #tpu.memory_space<hbm>>
      %dma_start3A_493 = arith.constant 64 : i32
      %dma_start3A_494 = tpu.memref_slice %arg6[%add3A_486, %dma_start3A_493] : memref<512x128xf32, #tpu.memory_space<vmem>> -> memref<1x64xf32, #tpu.memory_space<vmem>>
      %dma_start3A_495 = tpu.memref_squeeze %dma_start3A_494 : memref<1x64xf32, #tpu.memory_space<vmem>> -> memref<64xf32, #tpu.memory_space<vmem>>
      %dma_start3A_496 = arith.constant 0 : i32
      %dma_start3A_497 = tpu.memref_slice %arg2[%shift_right_arithmetic3A_480, %and3A_482, %dma_start3A_496] : memref<125000x8x64xf32, #tpu.memory_space<hbm>> -> memref<1x1x64xf32, #tpu.memory_space<hbm>>
      %dma_start3A_498 = tpu.memref_squeeze %dma_start3A_497 : memref<1x1x64xf32, #tpu.memory_space<hbm>> -> memref<64xf32, #tpu.memory_space<hbm>>
      tpu.enqueue_dma source(%dma_start3A_498 : memref<64xf32, #tpu.memory_space<hbm>>) target(%dma_start3A_495 : memref<64xf32, #tpu.memory_space<vmem>>) target_semaphore(%arg7 : memref<!tpu.dma_semaphore, #tpu.memory_space<semaphore_mem>>)
      %slice3A_499 = vector.extract_strided_slice %get3A_366 {offsets = [6], sizes = [1], strides = [1]} : vector<16xi32> to vector<1xi32>
      %squeeze3A_500 = vector.extract %slice3A_499[0] : i32 from vector<1xi32>
      %shift_right_arithmetic3A_501 = arith.constant 3 : i32
      %shift_right_arithmetic3A_502 = arith.shrsi %squeeze3A_500, %shift_right_arithmetic3A_501 : i32
      %and3A_503 = arith.constant 7 : i32
      %and3A_504 = arith.andi %squeeze3A_500, %and3A_503 : i32
      %mul3A_505 = arith.constant 16 : i32
      %mul3A_506 = arith.muli %scan3A_8, %mul3A_505 : i32
      %add3A_507 = arith.constant 11 : i32
      %add3A_508 = arith.addi %mul3A_506, %add3A_507 : i32
      %dma_start3A_509 = arith.constant 0 : i32
      %dma_start3A_510 = tpu.memref_slice %arg6[%add3A_508, %dma_start3A_509] : memref<512x128xf32, #tpu.memory_space<vmem>> -> memref<1x64xf32, #tpu.memory_space<vmem>>
      %dma_start3A_511 = tpu.memref_squeeze %dma_start3A_510 : memref<1x64xf32, #tpu.memory_space<vmem>> -> memref<64xf32, #tpu.memory_space<vmem>>
      %dma_start3A_512 = arith.constant 0 : i32
      %dma_start3A_513 = tpu.memref_slice %arg2[%shift_right_arithmetic3A_502, %and3A_504, %dma_start3A_512] : memref<125000x8x64xf32, #tpu.memory_space<hbm>> -> memref<1x1x64xf32, #tpu.memory_space<hbm>>
      %dma_start3A_514 = tpu.memref_squeeze %dma_start3A_513 : memref<1x1x64xf32, #tpu.memory_space<hbm>> -> memref<64xf32, #tpu.memory_space<hbm>>
      %dma_start3A_515 = arith.constant 0 : i32
      %dma_start3A_516 = tpu.memref_slice %arg6[%add3A_508, %dma_start3A_515] : memref<512x128xf32, #tpu.memory_space<vmem>> -> memref<1x64xf32, #tpu.memory_space<vmem>>
      %dma_start3A_517 = tpu.memref_squeeze %dma_start3A_516 : memref<1x64xf32, #tpu.memory_space<vmem>> -> memref<64xf32, #tpu.memory_space<vmem>>
      %dma_start3A_518 = arith.constant 0 : i32
      %dma_start3A_519 = tpu.memref_slice %arg2[%shift_right_arithmetic3A_502, %and3A_504, %dma_start3A_518] : memref<125000x8x64xf32, #tpu.memory_space<hbm>> -> memref<1x1x64xf32, #tpu.memory_space<hbm>>
      %dma_start3A_520 = tpu.memref_squeeze %dma_start3A_519 : memref<1x1x64xf32, #tpu.memory_space<hbm>> -> memref<64xf32, #tpu.memory_space<hbm>>
      tpu.enqueue_dma source(%dma_start3A_520 : memref<64xf32, #tpu.memory_space<hbm>>) target(%dma_start3A_517 : memref<64xf32, #tpu.memory_space<vmem>>) target_semaphore(%arg7 : memref<!tpu.dma_semaphore, #tpu.memory_space<semaphore_mem>>)
      %slice3A_521 = vector.extract_strided_slice %get3A_366 {offsets = [7], sizes = [1], strides = [1]} : vector<16xi32> to vector<1xi32>
      %squeeze3A_522 = vector.extract %slice3A_521[0] : i32 from vector<1xi32>
      %shift_right_arithmetic3A_523 = arith.constant 3 : i32
      %shift_right_arithmetic3A_524 = arith.shrsi %squeeze3A_522, %shift_right_arithmetic3A_523 : i32
      %and3A_525 = arith.constant 7 : i32
      %and3A_526 = arith.andi %squeeze3A_522, %and3A_525 : i32
      %mul3A_527 = arith.constant 16 : i32
      %mul3A_528 = arith.muli %scan3A_8, %mul3A_527 : i32
      %add3A_529 = arith.constant 11 : i32
      %add3A_530 = arith.addi %mul3A_528, %add3A_529 : i32
      %dma_start3A_531 = arith.constant 64 : i32
      %dma_start3A_532 = tpu.memref_slice %arg6[%add3A_530, %dma_start3A_531] : memref<512x128xf32, #tpu.memory_space<vmem>> -> memref<1x64xf32, #tpu.memory_space<vmem>>
      %dma_start3A_533 = tpu.memref_squeeze %dma_start3A_532 : memref<1x64xf32, #tpu.memory_space<vmem>> -> memref<64xf32, #tpu.memory_space<vmem>>
      %dma_start3A_534 = arith.constant 0 : i32
      %dma_start3A_535 = tpu.memref_slice %arg2[%shift_right_arithmetic3A_524, %and3A_526, %dma_start3A_534] : memref<125000x8x64xf32, #tpu.memory_space<hbm>> -> memref<1x1x64xf32, #tpu.memory_space<hbm>>
      %dma_start3A_536 = tpu.memref_squeeze %dma_start3A_535 : memref<1x1x64xf32, #tpu.memory_space<hbm>> -> memref<64xf32, #tpu.memory_space<hbm>>
      %dma_start3A_537 = arith.constant 64 : i32
      %dma_start3A_538 = tpu.memref_slice %arg6[%add3A_530, %dma_start3A_537] : memref<512x128xf32, #tpu.memory_space<vmem>> -> memref<1x64xf32, #tpu.memory_space<vmem>>
      %dma_start3A_539 = tpu.memref_squeeze %dma_start3A_538 : memref<1x64xf32, #tpu.memory_space<vmem>> -> memref<64xf32, #tpu.memory_space<vmem>>
      %dma_start3A_540 = arith.constant 0 : i32
      %dma_start3A_541 = tpu.memref_slice %arg2[%shift_right_arithmetic3A_524, %and3A_526, %dma_start3A_540] : memref<125000x8x64xf32, #tpu.memory_space<hbm>> -> memref<1x1x64xf32, #tpu.memory_space<hbm>>
      %dma_start3A_542 = tpu.memref_squeeze %dma_start3A_541 : memref<1x1x64xf32, #tpu.memory_space<hbm>> -> memref<64xf32, #tpu.memory_space<hbm>>
      tpu.enqueue_dma source(%dma_start3A_542 : memref<64xf32, #tpu.memory_space<hbm>>) target(%dma_start3A_539 : memref<64xf32, #tpu.memory_space<vmem>>) target_semaphore(%arg7 : memref<!tpu.dma_semaphore, #tpu.memory_space<semaphore_mem>>)
      %slice3A_543 = vector.extract_strided_slice %get3A_366 {offsets = [8], sizes = [1], strides = [1]} : vector<16xi32> to vector<1xi32>
      %squeeze3A_544 = vector.extract %slice3A_543[0] : i32 from vector<1xi32>
      %shift_right_arithmetic3A_545 = arith.constant 3 : i32
      %shift_right_arithmetic3A_546 = arith.shrsi %squeeze3A_544, %shift_right_arithmetic3A_545 : i32
      %and3A_547 = arith.constant 7 : i32
      %and3A_548 = arith.andi %squeeze3A_544, %and3A_547 : i32
      %mul3A_549 = arith.constant 16 : i32
      %mul3A_550 = arith.muli %scan3A_8, %mul3A_549 : i32
      %add3A_551 = arith.constant 12 : i32
      %add3A_552 = arith.addi %mul3A_550, %add3A_551 : i32
      %dma_start3A_553 = arith.constant 0 : i32
      %dma_start3A_554 = tpu.memref_slice %arg6[%add3A_552, %dma_start3A_553] : memref<512x128xf32, #tpu.memory_space<vmem>> -> memref<1x64xf32, #tpu.memory_space<vmem>>
      %dma_start3A_555 = tpu.memref_squeeze %dma_start3A_554 : memref<1x64xf32, #tpu.memory_space<vmem>> -> memref<64xf32, #tpu.memory_space<vmem>>
      %dma_start3A_556 = arith.constant 0 : i32
      %dma_start3A_557 = tpu.memref_slice %arg2[%shift_right_arithmetic3A_546, %and3A_548, %dma_start3A_556] : memref<125000x8x64xf32, #tpu.memory_space<hbm>> -> memref<1x1x64xf32, #tpu.memory_space<hbm>>
      %dma_start3A_558 = tpu.memref_squeeze %dma_start3A_557 : memref<1x1x64xf32, #tpu.memory_space<hbm>> -> memref<64xf32, #tpu.memory_space<hbm>>
      %dma_start3A_559 = arith.constant 0 : i32
      %dma_start3A_560 = tpu.memref_slice %arg6[%add3A_552, %dma_start3A_559] : memref<512x128xf32, #tpu.memory_space<vmem>> -> memref<1x64xf32, #tpu.memory_space<vmem>>
      %dma_start3A_561 = tpu.memref_squeeze %dma_start3A_560 : memref<1x64xf32, #tpu.memory_space<vmem>> -> memref<64xf32, #tpu.memory_space<vmem>>
      %dma_start3A_562 = arith.constant 0 : i32
      %dma_start3A_563 = tpu.memref_slice %arg2[%shift_right_arithmetic3A_546, %and3A_548, %dma_start3A_562] : memref<125000x8x64xf32, #tpu.memory_space<hbm>> -> memref<1x1x64xf32, #tpu.memory_space<hbm>>
      %dma_start3A_564 = tpu.memref_squeeze %dma_start3A_563 : memref<1x1x64xf32, #tpu.memory_space<hbm>> -> memref<64xf32, #tpu.memory_space<hbm>>
      tpu.enqueue_dma source(%dma_start3A_564 : memref<64xf32, #tpu.memory_space<hbm>>) target(%dma_start3A_561 : memref<64xf32, #tpu.memory_space<vmem>>) target_semaphore(%arg7 : memref<!tpu.dma_semaphore, #tpu.memory_space<semaphore_mem>>)
      %slice3A_565 = vector.extract_strided_slice %get3A_366 {offsets = [9], sizes = [1], strides = [1]} : vector<16xi32> to vector<1xi32>
      %squeeze3A_566 = vector.extract %slice3A_565[0] : i32 from vector<1xi32>
      %shift_right_arithmetic3A_567 = arith.constant 3 : i32
      %shift_right_arithmetic3A_568 = arith.shrsi %squeeze3A_566, %shift_right_arithmetic3A_567 : i32
      %and3A_569 = arith.constant 7 : i32
      %and3A_570 = arith.andi %squeeze3A_566, %and3A_569 : i32
      %mul3A_571 = arith.constant 16 : i32
      %mul3A_572 = arith.muli %scan3A_8, %mul3A_571 : i32
      %add3A_573 = arith.constant 12 : i32
      %add3A_574 = arith.addi %mul3A_572, %add3A_573 : i32
      %dma_start3A_575 = arith.constant 64 : i32
      %dma_start3A_576 = tpu.memref_slice %arg6[%add3A_574, %dma_start3A_575] : memref<512x128xf32, #tpu.memory_space<vmem>> -> memref<1x64xf32, #tpu.memory_space<vmem>>
      %dma_start3A_577 = tpu.memref_squeeze %dma_start3A_576 : memref<1x64xf32, #tpu.memory_space<vmem>> -> memref<64xf32, #tpu.memory_space<vmem>>
      %dma_start3A_578 = arith.constant 0 : i32
      %dma_start3A_579 = tpu.memref_slice %arg2[%shift_right_arithmetic3A_568, %and3A_570, %dma_start3A_578] : memref<125000x8x64xf32, #tpu.memory_space<hbm>> -> memref<1x1x64xf32, #tpu.memory_space<hbm>>
      %dma_start3A_580 = tpu.memref_squeeze %dma_start3A_579 : memref<1x1x64xf32, #tpu.memory_space<hbm>> -> memref<64xf32, #tpu.memory_space<hbm>>
      %dma_start3A_581 = arith.constant 64 : i32
      %dma_start3A_582 = tpu.memref_slice %arg6[%add3A_574, %dma_start3A_581] : memref<512x128xf32, #tpu.memory_space<vmem>> -> memref<1x64xf32, #tpu.memory_space<vmem>>
      %dma_start3A_583 = tpu.memref_squeeze %dma_start3A_582 : memref<1x64xf32, #tpu.memory_space<vmem>> -> memref<64xf32, #tpu.memory_space<vmem>>
      %dma_start3A_584 = arith.constant 0 : i32
      %dma_start3A_585 = tpu.memref_slice %arg2[%shift_right_arithmetic3A_568, %and3A_570, %dma_start3A_584] : memref<125000x8x64xf32, #tpu.memory_space<hbm>> -> memref<1x1x64xf32, #tpu.memory_space<hbm>>
      %dma_start3A_586 = tpu.memref_squeeze %dma_start3A_585 : memref<1x1x64xf32, #tpu.memory_space<hbm>> -> memref<64xf32, #tpu.memory_space<hbm>>
      tpu.enqueue_dma source(%dma_start3A_586 : memref<64xf32, #tpu.memory_space<hbm>>) target(%dma_start3A_583 : memref<64xf32, #tpu.memory_space<vmem>>) target_semaphore(%arg7 : memref<!tpu.dma_semaphore, #tpu.memory_space<semaphore_mem>>)
      %slice3A_587 = vector.extract_strided_slice %get3A_366 {offsets = [10], sizes = [1], strides = [1]} : vector<16xi32> to vector<1xi32>
      %squeeze3A_588 = vector.extract %slice3A_587[0] : i32 from vector<1xi32>
      %shift_right_arithmetic3A_589 = arith.constant 3 : i32
      %shift_right_arithmetic3A_590 = arith.shrsi %squeeze3A_588, %shift_right_arithmetic3A_589 : i32
      %and3A_591 = arith.constant 7 : i32
      %and3A_592 = arith.andi %squeeze3A_588, %and3A_591 : i32
      %mul3A_593 = arith.constant 16 : i32
      %mul3A_594 = arith.muli %scan3A_8, %mul3A_593 : i32
      %add3A_595 = arith.constant 13 : i32
      %add3A_596 = arith.addi %mul3A_594, %add3A_595 : i32
      %dma_start3A_597 = arith.constant 0 : i32
      %dma_start3A_598 = tpu.memref_slice %arg6[%add3A_596, %dma_start3A_597] : memref<512x128xf32, #tpu.memory_space<vmem>> -> memref<1x64xf32, #tpu.memory_space<vmem>>
      %dma_start3A_599 = tpu.memref_squeeze %dma_start3A_598 : memref<1x64xf32, #tpu.memory_space<vmem>> -> memref<64xf32, #tpu.memory_space<vmem>>
      %dma_start3A_600 = arith.constant 0 : i32
      %dma_start3A_601 = tpu.memref_slice %arg2[%shift_right_arithmetic3A_590, %and3A_592, %dma_start3A_600] : memref<125000x8x64xf32, #tpu.memory_space<hbm>> -> memref<1x1x64xf32, #tpu.memory_space<hbm>>
      %dma_start3A_602 = tpu.memref_squeeze %dma_start3A_601 : memref<1x1x64xf32, #tpu.memory_space<hbm>> -> memref<64xf32, #tpu.memory_space<hbm>>
      %dma_start3A_603 = arith.constant 0 : i32
      %dma_start3A_604 = tpu.memref_slice %arg6[%add3A_596, %dma_start3A_603] : memref<512x128xf32, #tpu.memory_space<vmem>> -> memref<1x64xf32, #tpu.memory_space<vmem>>
      %dma_start3A_605 = tpu.memref_squeeze %dma_start3A_604 : memref<1x64xf32, #tpu.memory_space<vmem>> -> memref<64xf32, #tpu.memory_space<vmem>>
      %dma_start3A_606 = arith.constant 0 : i32
      %dma_start3A_607 = tpu.memref_slice %arg2[%shift_right_arithmetic3A_590, %and3A_592, %dma_start3A_606] : memref<125000x8x64xf32, #tpu.memory_space<hbm>> -> memref<1x1x64xf32, #tpu.memory_space<hbm>>
      %dma_start3A_608 = tpu.memref_squeeze %dma_start3A_607 : memref<1x1x64xf32, #tpu.memory_space<hbm>> -> memref<64xf32, #tpu.memory_space<hbm>>
      tpu.enqueue_dma source(%dma_start3A_608 : memref<64xf32, #tpu.memory_space<hbm>>) target(%dma_start3A_605 : memref<64xf32, #tpu.memory_space<vmem>>) target_semaphore(%arg7 : memref<!tpu.dma_semaphore, #tpu.memory_space<semaphore_mem>>)
      %slice3A_609 = vector.extract_strided_slice %get3A_366 {offsets = [11], sizes = [1], strides = [1]} : vector<16xi32> to vector<1xi32>
      %squeeze3A_610 = vector.extract %slice3A_609[0] : i32 from vector<1xi32>
      %shift_right_arithmetic3A_611 = arith.constant 3 : i32
      %shift_right_arithmetic3A_612 = arith.shrsi %squeeze3A_610, %shift_right_arithmetic3A_611 : i32
      %and3A_613 = arith.constant 7 : i32
      %and3A_614 = arith.andi %squeeze3A_610, %and3A_613 : i32
      %mul3A_615 = arith.constant 16 : i32
      %mul3A_616 = arith.muli %scan3A_8, %mul3A_615 : i32
      %add3A_617 = arith.constant 13 : i32
      %add3A_618 = arith.addi %mul3A_616, %add3A_617 : i32
      %dma_start3A_619 = arith.constant 64 : i32
      %dma_start3A_620 = tpu.memref_slice %arg6[%add3A_618, %dma_start3A_619] : memref<512x128xf32, #tpu.memory_space<vmem>> -> memref<1x64xf32, #tpu.memory_space<vmem>>
      %dma_start3A_621 = tpu.memref_squeeze %dma_start3A_620 : memref<1x64xf32, #tpu.memory_space<vmem>> -> memref<64xf32, #tpu.memory_space<vmem>>
      %dma_start3A_622 = arith.constant 0 : i32
      %dma_start3A_623 = tpu.memref_slice %arg2[%shift_right_arithmetic3A_612, %and3A_614, %dma_start3A_622] : memref<125000x8x64xf32, #tpu.memory_space<hbm>> -> memref<1x1x64xf32, #tpu.memory_space<hbm>>
      %dma_start3A_624 = tpu.memref_squeeze %dma_start3A_623 : memref<1x1x64xf32, #tpu.memory_space<hbm>> -> memref<64xf32, #tpu.memory_space<hbm>>
      %dma_start3A_625 = arith.constant 64 : i32
      %dma_start3A_626 = tpu.memref_slice %arg6[%add3A_618, %dma_start3A_625] : memref<512x128xf32, #tpu.memory_space<vmem>> -> memref<1x64xf32, #tpu.memory_space<vmem>>
      %dma_start3A_627 = tpu.memref_squeeze %dma_start3A_626 : memref<1x64xf32, #tpu.memory_space<vmem>> -> memref<64xf32, #tpu.memory_space<vmem>>
      %dma_start3A_628 = arith.constant 0 : i32
      %dma_start3A_629 = tpu.memref_slice %arg2[%shift_right_arithmetic3A_612, %and3A_614, %dma_start3A_628] : memref<125000x8x64xf32, #tpu.memory_space<hbm>> -> memref<1x1x64xf32, #tpu.memory_space<hbm>>
      %dma_start3A_630 = tpu.memref_squeeze %dma_start3A_629 : memref<1x1x64xf32, #tpu.memory_space<hbm>> -> memref<64xf32, #tpu.memory_space<hbm>>
      tpu.enqueue_dma source(%dma_start3A_630 : memref<64xf32, #tpu.memory_space<hbm>>) target(%dma_start3A_627 : memref<64xf32, #tpu.memory_space<vmem>>) target_semaphore(%arg7 : memref<!tpu.dma_semaphore, #tpu.memory_space<semaphore_mem>>)
      %slice3A_631 = vector.extract_strided_slice %get3A_366 {offsets = [12], sizes = [1], strides = [1]} : vector<16xi32> to vector<1xi32>
      %squeeze3A_632 = vector.extract %slice3A_631[0] : i32 from vector<1xi32>
      %shift_right_arithmetic3A_633 = arith.constant 3 : i32
      %shift_right_arithmetic3A_634 = arith.shrsi %squeeze3A_632, %shift_right_arithmetic3A_633 : i32
      %and3A_635 = arith.constant 7 : i32
      %and3A_636 = arith.andi %squeeze3A_632, %and3A_635 : i32
      %mul3A_637 = arith.constant 16 : i32
      %mul3A_638 = arith.muli %scan3A_8, %mul3A_637 : i32
      %add3A_639 = arith.constant 14 : i32
      %add3A_640 = arith.addi %mul3A_638, %add3A_639 : i32
      %dma_start3A_641 = arith.constant 0 : i32
      %dma_start3A_642 = tpu.memref_slice %arg6[%add3A_640, %dma_start3A_641] : memref<512x128xf32, #tpu.memory_space<vmem>> -> memref<1x64xf32, #tpu.memory_space<vmem>>
      %dma_start3A_643 = tpu.memref_squeeze %dma_start3A_642 : memref<1x64xf32, #tpu.memory_space<vmem>> -> memref<64xf32, #tpu.memory_space<vmem>>
      %dma_start3A_644 = arith.constant 0 : i32
      %dma_start3A_645 = tpu.memref_slice %arg2[%shift_right_arithmetic3A_634, %and3A_636, %dma_start3A_644] : memref<125000x8x64xf32, #tpu.memory_space<hbm>> -> memref<1x1x64xf32, #tpu.memory_space<hbm>>
      %dma_start3A_646 = tpu.memref_squeeze %dma_start3A_645 : memref<1x1x64xf32, #tpu.memory_space<hbm>> -> memref<64xf32, #tpu.memory_space<hbm>>
      %dma_start3A_647 = arith.constant 0 : i32
      %dma_start3A_648 = tpu.memref_slice %arg6[%add3A_640, %dma_start3A_647] : memref<512x128xf32, #tpu.memory_space<vmem>> -> memref<1x64xf32, #tpu.memory_space<vmem>>
      %dma_start3A_649 = tpu.memref_squeeze %dma_start3A_648 : memref<1x64xf32, #tpu.memory_space<vmem>> -> memref<64xf32, #tpu.memory_space<vmem>>
      %dma_start3A_650 = arith.constant 0 : i32
      %dma_start3A_651 = tpu.memref_slice %arg2[%shift_right_arithmetic3A_634, %and3A_636, %dma_start3A_650] : memref<125000x8x64xf32, #tpu.memory_space<hbm>> -> memref<1x1x64xf32, #tpu.memory_space<hbm>>
      %dma_start3A_652 = tpu.memref_squeeze %dma_start3A_651 : memref<1x1x64xf32, #tpu.memory_space<hbm>> -> memref<64xf32, #tpu.memory_space<hbm>>
      tpu.enqueue_dma source(%dma_start3A_652 : memref<64xf32, #tpu.memory_space<hbm>>) target(%dma_start3A_649 : memref<64xf32, #tpu.memory_space<vmem>>) target_semaphore(%arg7 : memref<!tpu.dma_semaphore, #tpu.memory_space<semaphore_mem>>)
      %slice3A_653 = vector.extract_strided_slice %get3A_366 {offsets = [13], sizes = [1], strides = [1]} : vector<16xi32> to vector<1xi32>
      %squeeze3A_654 = vector.extract %slice3A_653[0] : i32 from vector<1xi32>
      %shift_right_arithmetic3A_655 = arith.constant 3 : i32
      %shift_right_arithmetic3A_656 = arith.shrsi %squeeze3A_654, %shift_right_arithmetic3A_655 : i32
      %and3A_657 = arith.constant 7 : i32
      %and3A_658 = arith.andi %squeeze3A_654, %and3A_657 : i32
      %mul3A_659 = arith.constant 16 : i32
      %mul3A_660 = arith.muli %scan3A_8, %mul3A_659 : i32
      %add3A_661 = arith.constant 14 : i32
      %add3A_662 = arith.addi %mul3A_660, %add3A_661 : i32
      %dma_start3A_663 = arith.constant 64 : i32
      %dma_start3A_664 = tpu.memref_slice %arg6[%add3A_662, %dma_start3A_663] : memref<512x128xf32, #tpu.memory_space<vmem>> -> memref<1x64xf32, #tpu.memory_space<vmem>>
      %dma_start3A_665 = tpu.memref_squeeze %dma_start3A_664 : memref<1x64xf32, #tpu.memory_space<vmem>> -> memref<64xf32, #tpu.memory_space<vmem>>
      %dma_start3A_666 = arith.constant 0 : i32
      %dma_start3A_667 = tpu.memref_slice %arg2[%shift_right_arithmetic3A_656, %and3A_658, %dma_start3A_666] : memref<125000x8x64xf32, #tpu.memory_space<hbm>> -> memref<1x1x64xf32, #tpu.memory_space<hbm>>
      %dma_start3A_668 = tpu.memref_squeeze %dma_start3A_667 : memref<1x1x64xf32, #tpu.memory_space<hbm>> -> memref<64xf32, #tpu.memory_space<hbm>>
      %dma_start3A_669 = arith.constant 64 : i32
      %dma_start3A_670 = tpu.memref_slice %arg6[%add3A_662, %dma_start3A_669] : memref<512x128xf32, #tpu.memory_space<vmem>> -> memref<1x64xf32, #tpu.memory_space<vmem>>
      %dma_start3A_671 = tpu.memref_squeeze %dma_start3A_670 : memref<1x64xf32, #tpu.memory_space<vmem>> -> memref<64xf32, #tpu.memory_space<vmem>>
      %dma_start3A_672 = arith.constant 0 : i32
      %dma_start3A_673 = tpu.memref_slice %arg2[%shift_right_arithmetic3A_656, %and3A_658, %dma_start3A_672] : memref<125000x8x64xf32, #tpu.memory_space<hbm>> -> memref<1x1x64xf32, #tpu.memory_space<hbm>>
      %dma_start3A_674 = tpu.memref_squeeze %dma_start3A_673 : memref<1x1x64xf32, #tpu.memory_space<hbm>> -> memref<64xf32, #tpu.memory_space<hbm>>
      tpu.enqueue_dma source(%dma_start3A_674 : memref<64xf32, #tpu.memory_space<hbm>>) target(%dma_start3A_671 : memref<64xf32, #tpu.memory_space<vmem>>) target_semaphore(%arg7 : memref<!tpu.dma_semaphore, #tpu.memory_space<semaphore_mem>>)
      %slice3A_675 = vector.extract_strided_slice %get3A_366 {offsets = [14], sizes = [1], strides = [1]} : vector<16xi32> to vector<1xi32>
      %squeeze3A_676 = vector.extract %slice3A_675[0] : i32 from vector<1xi32>
      %shift_right_arithmetic3A_677 = arith.constant 3 : i32
      %shift_right_arithmetic3A_678 = arith.shrsi %squeeze3A_676, %shift_right_arithmetic3A_677 : i32
      %and3A_679 = arith.constant 7 : i32
      %and3A_680 = arith.andi %squeeze3A_676, %and3A_679 : i32
      %mul3A_681 = arith.constant 16 : i32
      %mul3A_682 = arith.muli %scan3A_8, %mul3A_681 : i32
      %add3A_683 = arith.constant 15 : i32
      %add3A_684 = arith.addi %mul3A_682, %add3A_683 : i32
      %dma_start3A_685 = arith.constant 0 : i32
      %dma_start3A_686 = tpu.memref_slice %arg6[%add3A_684, %dma_start3A_685] : memref<512x128xf32, #tpu.memory_space<vmem>> -> memref<1x64xf32, #tpu.memory_space<vmem>>
      %dma_start3A_687 = tpu.memref_squeeze %dma_start3A_686 : memref<1x64xf32, #tpu.memory_space<vmem>> -> memref<64xf32, #tpu.memory_space<vmem>>
      %dma_start3A_688 = arith.constant 0 : i32
      %dma_start3A_689 = tpu.memref_slice %arg2[%shift_right_arithmetic3A_678, %and3A_680, %dma_start3A_688] : memref<125000x8x64xf32, #tpu.memory_space<hbm>> -> memref<1x1x64xf32, #tpu.memory_space<hbm>>
      %dma_start3A_690 = tpu.memref_squeeze %dma_start3A_689 : memref<1x1x64xf32, #tpu.memory_space<hbm>> -> memref<64xf32, #tpu.memory_space<hbm>>
      %dma_start3A_691 = arith.constant 0 : i32
      %dma_start3A_692 = tpu.memref_slice %arg6[%add3A_684, %dma_start3A_691] : memref<512x128xf32, #tpu.memory_space<vmem>> -> memref<1x64xf32, #tpu.memory_space<vmem>>
      %dma_start3A_693 = tpu.memref_squeeze %dma_start3A_692 : memref<1x64xf32, #tpu.memory_space<vmem>> -> memref<64xf32, #tpu.memory_space<vmem>>
      %dma_start3A_694 = arith.constant 0 : i32
      %dma_start3A_695 = tpu.memref_slice %arg2[%shift_right_arithmetic3A_678, %and3A_680, %dma_start3A_694] : memref<125000x8x64xf32, #tpu.memory_space<hbm>> -> memref<1x1x64xf32, #tpu.memory_space<hbm>>
      %dma_start3A_696 = tpu.memref_squeeze %dma_start3A_695 : memref<1x1x64xf32, #tpu.memory_space<hbm>> -> memref<64xf32, #tpu.memory_space<hbm>>
      tpu.enqueue_dma source(%dma_start3A_696 : memref<64xf32, #tpu.memory_space<hbm>>) target(%dma_start3A_693 : memref<64xf32, #tpu.memory_space<vmem>>) target_semaphore(%arg7 : memref<!tpu.dma_semaphore, #tpu.memory_space<semaphore_mem>>)
      %slice3A_697 = vector.extract_strided_slice %get3A_366 {offsets = [15], sizes = [1], strides = [1]} : vector<16xi32> to vector<1xi32>
      %squeeze3A_698 = vector.extract %slice3A_697[0] : i32 from vector<1xi32>
      %shift_right_arithmetic3A_699 = arith.constant 3 : i32
      %shift_right_arithmetic3A_700 = arith.shrsi %squeeze3A_698, %shift_right_arithmetic3A_699 : i32
      %and3A_701 = arith.constant 7 : i32
      %and3A_702 = arith.andi %squeeze3A_698, %and3A_701 : i32
      %mul3A_703 = arith.constant 16 : i32
      %mul3A_704 = arith.muli %scan3A_8, %mul3A_703 : i32
      %add3A_705 = arith.constant 15 : i32
      %add3A_706 = arith.addi %mul3A_704, %add3A_705 : i32
      %dma_start3A_707 = arith.constant 64 : i32
      %dma_start3A_708 = tpu.memref_slice %arg6[%add3A_706, %dma_start3A_707] : memref<512x128xf32, #tpu.memory_space<vmem>> -> memref<1x64xf32, #tpu.memory_space<vmem>>
      %dma_start3A_709 = tpu.memref_squeeze %dma_start3A_708 : memref<1x64xf32, #tpu.memory_space<vmem>> -> memref<64xf32, #tpu.memory_space<vmem>>
      %dma_start3A_710 = arith.constant 0 : i32
      %dma_start3A_711 = tpu.memref_slice %arg2[%shift_right_arithmetic3A_700, %and3A_702, %dma_start3A_710] : memref<125000x8x64xf32, #tpu.memory_space<hbm>> -> memref<1x1x64xf32, #tpu.memory_space<hbm>>
      %dma_start3A_712 = tpu.memref_squeeze %dma_start3A_711 : memref<1x1x64xf32, #tpu.memory_space<hbm>> -> memref<64xf32, #tpu.memory_space<hbm>>
      %dma_start3A_713 = arith.constant 64 : i32
      %dma_start3A_714 = tpu.memref_slice %arg6[%add3A_706, %dma_start3A_713] : memref<512x128xf32, #tpu.memory_space<vmem>> -> memref<1x64xf32, #tpu.memory_space<vmem>>
      %dma_start3A_715 = tpu.memref_squeeze %dma_start3A_714 : memref<1x64xf32, #tpu.memory_space<vmem>> -> memref<64xf32, #tpu.memory_space<vmem>>
      %dma_start3A_716 = arith.constant 0 : i32
      %dma_start3A_717 = tpu.memref_slice %arg2[%shift_right_arithmetic3A_700, %and3A_702, %dma_start3A_716] : memref<125000x8x64xf32, #tpu.memory_space<hbm>> -> memref<1x1x64xf32, #tpu.memory_space<hbm>>
      %dma_start3A_718 = tpu.memref_squeeze %dma_start3A_717 : memref<1x1x64xf32, #tpu.memory_space<hbm>> -> memref<64xf32, #tpu.memory_space<hbm>>
      tpu.enqueue_dma source(%dma_start3A_718 : memref<64xf32, #tpu.memory_space<hbm>>) target(%dma_start3A_715 : memref<64xf32, #tpu.memory_space<vmem>>) target_semaphore(%arg7 : memref<!tpu.dma_semaphore, #tpu.memory_space<semaphore_mem>>)
      %dma_wait3A = arith.constant 0 : i32
      %dma_wait3A_719 = tpu.memref_slice %arg6[%add3A_19, %dma_wait3A] : memref<512x128xf32, #tpu.memory_space<vmem>> -> memref<1x64xf32, #tpu.memory_space<vmem>>
      %dma_wait3A_720 = tpu.memref_squeeze %dma_wait3A_719 : memref<1x64xf32, #tpu.memory_space<vmem>> -> memref<64xf32, #tpu.memory_space<vmem>>
      %dma_wait3A_721 = arith.constant 0 : i32
      %dma_wait3A_722 = tpu.memref_slice %arg2[%shift_right_arithmetic3A_14, %and3A_15, %dma_wait3A_721] : memref<125000x8x64xf32, #tpu.memory_space<hbm>> -> memref<1x1x64xf32, #tpu.memory_space<hbm>>
      %dma_wait3A_723 = tpu.memref_squeeze %dma_wait3A_722 : memref<1x1x64xf32, #tpu.memory_space<hbm>> -> memref<64xf32, #tpu.memory_space<hbm>>
      %dma_wait3A_724 = arith.constant 0 : i32
      %dma_wait3A_725 = tpu.memref_slice %arg6[%add3A_19, %dma_wait3A_724] : memref<512x128xf32, #tpu.memory_space<vmem>> -> memref<1x64xf32, #tpu.memory_space<vmem>>
      %dma_wait3A_726 = tpu.memref_squeeze %dma_wait3A_725 : memref<1x64xf32, #tpu.memory_space<vmem>> -> memref<64xf32, #tpu.memory_space<vmem>>
      %dma_wait3A_727 = arith.constant 0 : i32
      %dma_wait3A_728 = tpu.memref_slice %arg2[%shift_right_arithmetic3A_14, %and3A_15, %dma_wait3A_727] : memref<125000x8x64xf32, #tpu.memory_space<hbm>> -> memref<1x1x64xf32, #tpu.memory_space<hbm>>
      %dma_wait3A_729 = tpu.memref_squeeze %dma_wait3A_728 : memref<1x1x64xf32, #tpu.memory_space<hbm>> -> memref<64xf32, #tpu.memory_space<hbm>>
      tpu.wait_dma2 semaphore(%arg7 : memref<!tpu.dma_semaphore, #tpu.memory_space<semaphore_mem>>) src(%dma_wait3A_729 : memref<64xf32, #tpu.memory_space<hbm>>) dst(%dma_wait3A_726 : memref<64xf32, #tpu.memory_space<vmem>>)
      %dma_wait3A_730 = arith.constant 64 : i32
      %dma_wait3A_731 = tpu.memref_slice %arg6[%add3A_40, %dma_wait3A_730] : memref<512x128xf32, #tpu.memory_space<vmem>> -> memref<1x64xf32, #tpu.memory_space<vmem>>
      %dma_wait3A_732 = tpu.memref_squeeze %dma_wait3A_731 : memref<1x64xf32, #tpu.memory_space<vmem>> -> memref<64xf32, #tpu.memory_space<vmem>>
      %dma_wait3A_733 = arith.constant 0 : i32
      %dma_wait3A_734 = tpu.memref_slice %arg2[%shift_right_arithmetic3A_34, %and3A_36, %dma_wait3A_733] : memref<125000x8x64xf32, #tpu.memory_space<hbm>> -> memref<1x1x64xf32, #tpu.memory_space<hbm>>
      %dma_wait3A_735 = tpu.memref_squeeze %dma_wait3A_734 : memref<1x1x64xf32, #tpu.memory_space<hbm>> -> memref<64xf32, #tpu.memory_space<hbm>>
      %dma_wait3A_736 = arith.constant 64 : i32
      %dma_wait3A_737 = tpu.memref_slice %arg6[%add3A_40, %dma_wait3A_736] : memref<512x128xf32, #tpu.memory_space<vmem>> -> memref<1x64xf32, #tpu.memory_space<vmem>>
      %dma_wait3A_738 = tpu.memref_squeeze %dma_wait3A_737 : memref<1x64xf32, #tpu.memory_space<vmem>> -> memref<64xf32, #tpu.memory_space<vmem>>
      %dma_wait3A_739 = arith.constant 0 : i32
      %dma_wait3A_740 = tpu.memref_slice %arg2[%shift_right_arithmetic3A_34, %and3A_36, %dma_wait3A_739] : memref<125000x8x64xf32, #tpu.memory_space<hbm>> -> memref<1x1x64xf32, #tpu.memory_space<hbm>>
      %dma_wait3A_741 = tpu.memref_squeeze %dma_wait3A_740 : memref<1x1x64xf32, #tpu.memory_space<hbm>> -> memref<64xf32, #tpu.memory_space<hbm>>
      tpu.wait_dma2 semaphore(%arg7 : memref<!tpu.dma_semaphore, #tpu.memory_space<semaphore_mem>>) src(%dma_wait3A_741 : memref<64xf32, #tpu.memory_space<hbm>>) dst(%dma_wait3A_738 : memref<64xf32, #tpu.memory_space<vmem>>)
      %dma_wait3A_742 = arith.constant 0 : i32
      %dma_wait3A_743 = tpu.memref_slice %arg6[%add3A_62, %dma_wait3A_742] : memref<512x128xf32, #tpu.memory_space<vmem>> -> memref<1x64xf32, #tpu.memory_space<vmem>>
      %dma_wait3A_744 = tpu.memref_squeeze %dma_wait3A_743 : memref<1x64xf32, #tpu.memory_space<vmem>> -> memref<64xf32, #tpu.memory_space<vmem>>
      %dma_wait3A_745 = arith.constant 0 : i32
      %dma_wait3A_746 = tpu.memref_slice %arg2[%shift_right_arithmetic3A_56, %and3A_58, %dma_wait3A_745] : memref<125000x8x64xf32, #tpu.memory_space<hbm>> -> memref<1x1x64xf32, #tpu.memory_space<hbm>>
      %dma_wait3A_747 = tpu.memref_squeeze %dma_wait3A_746 : memref<1x1x64xf32, #tpu.memory_space<hbm>> -> memref<64xf32, #tpu.memory_space<hbm>>
      %dma_wait3A_748 = arith.constant 0 : i32
      %dma_wait3A_749 = tpu.memref_slice %arg6[%add3A_62, %dma_wait3A_748] : memref<512x128xf32, #tpu.memory_space<vmem>> -> memref<1x64xf32, #tpu.memory_space<vmem>>
      %dma_wait3A_750 = tpu.memref_squeeze %dma_wait3A_749 : memref<1x64xf32, #tpu.memory_space<vmem>> -> memref<64xf32, #tpu.memory_space<vmem>>
      %dma_wait3A_751 = arith.constant 0 : i32
      %dma_wait3A_752 = tpu.memref_slice %arg2[%shift_right_arithmetic3A_56, %and3A_58, %dma_wait3A_751] : memref<125000x8x64xf32, #tpu.memory_space<hbm>> -> memref<1x1x64xf32, #tpu.memory_space<hbm>>
      %dma_wait3A_753 = tpu.memref_squeeze %dma_wait3A_752 : memref<1x1x64xf32, #tpu.memory_space<hbm>> -> memref<64xf32, #tpu.memory_space<hbm>>
      tpu.wait_dma2 semaphore(%arg7 : memref<!tpu.dma_semaphore, #tpu.memory_space<semaphore_mem>>) src(%dma_wait3A_753 : memref<64xf32, #tpu.memory_space<hbm>>) dst(%dma_wait3A_750 : memref<64xf32, #tpu.memory_space<vmem>>)
      %dma_wait3A_754 = arith.constant 64 : i32
      %dma_wait3A_755 = tpu.memref_slice %arg6[%add3A_84, %dma_wait3A_754] : memref<512x128xf32, #tpu.memory_space<vmem>> -> memref<1x64xf32, #tpu.memory_space<vmem>>
      %dma_wait3A_756 = tpu.memref_squeeze %dma_wait3A_755 : memref<1x64xf32, #tpu.memory_space<vmem>> -> memref<64xf32, #tpu.memory_space<vmem>>
      %dma_wait3A_757 = arith.constant 0 : i32
      %dma_wait3A_758 = tpu.memref_slice %arg2[%shift_right_arithmetic3A_78, %and3A_80, %dma_wait3A_757] : memref<125000x8x64xf32, #tpu.memory_space<hbm>> -> memref<1x1x64xf32, #tpu.memory_space<hbm>>
      %dma_wait3A_759 = tpu.memref_squeeze %dma_wait3A_758 : memref<1x1x64xf32, #tpu.memory_space<hbm>> -> memref<64xf32, #tpu.memory_space<hbm>>
      %dma_wait3A_760 = arith.constant 64 : i32
      %dma_wait3A_761 = tpu.memref_slice %arg6[%add3A_84, %dma_wait3A_760] : memref<512x128xf32, #tpu.memory_space<vmem>> -> memref<1x64xf32, #tpu.memory_space<vmem>>
      %dma_wait3A_762 = tpu.memref_squeeze %dma_wait3A_761 : memref<1x64xf32, #tpu.memory_space<vmem>> -> memref<64xf32, #tpu.memory_space<vmem>>
      %dma_wait3A_763 = arith.constant 0 : i32
      %dma_wait3A_764 = tpu.memref_slice %arg2[%shift_right_arithmetic3A_78, %and3A_80, %dma_wait3A_763] : memref<125000x8x64xf32, #tpu.memory_space<hbm>> -> memref<1x1x64xf32, #tpu.memory_space<hbm>>
      %dma_wait3A_765 = tpu.memref_squeeze %dma_wait3A_764 : memref<1x1x64xf32, #tpu.memory_space<hbm>> -> memref<64xf32, #tpu.memory_space<hbm>>
      tpu.wait_dma2 semaphore(%arg7 : memref<!tpu.dma_semaphore, #tpu.memory_space<semaphore_mem>>) src(%dma_wait3A_765 : memref<64xf32, #tpu.memory_space<hbm>>) dst(%dma_wait3A_762 : memref<64xf32, #tpu.memory_space<vmem>>)
      %dma_wait3A_766 = arith.constant 0 : i32
      %dma_wait3A_767 = tpu.memref_slice %arg6[%add3A_106, %dma_wait3A_766] : memref<512x128xf32, #tpu.memory_space<vmem>> -> memref<1x64xf32, #tpu.memory_space<vmem>>
      %dma_wait3A_768 = tpu.memref_squeeze %dma_wait3A_767 : memref<1x64xf32, #tpu.memory_space<vmem>> -> memref<64xf32, #tpu.memory_space<vmem>>
      %dma_wait3A_769 = arith.constant 0 : i32
      %dma_wait3A_770 = tpu.memref_slice %arg2[%shift_right_arithmetic3A_100, %and3A_102, %dma_wait3A_769] : memref<125000x8x64xf32, #tpu.memory_space<hbm>> -> memref<1x1x64xf32, #tpu.memory_space<hbm>>
      %dma_wait3A_771 = tpu.memref_squeeze %dma_wait3A_770 : memref<1x1x64xf32, #tpu.memory_space<hbm>> -> memref<64xf32, #tpu.memory_space<hbm>>
      %dma_wait3A_772 = arith.constant 0 : i32
      %dma_wait3A_773 = tpu.memref_slice %arg6[%add3A_106, %dma_wait3A_772] : memref<512x128xf32, #tpu.memory_space<vmem>> -> memref<1x64xf32, #tpu.memory_space<vmem>>
      %dma_wait3A_774 = tpu.memref_squeeze %dma_wait3A_773 : memref<1x64xf32, #tpu.memory_space<vmem>> -> memref<64xf32, #tpu.memory_space<vmem>>
      %dma_wait3A_775 = arith.constant 0 : i32
      %dma_wait3A_776 = tpu.memref_slice %arg2[%shift_right_arithmetic3A_100, %and3A_102, %dma_wait3A_775] : memref<125000x8x64xf32, #tpu.memory_space<hbm>> -> memref<1x1x64xf32, #tpu.memory_space<hbm>>
      %dma_wait3A_777 = tpu.memref_squeeze %dma_wait3A_776 : memref<1x1x64xf32, #tpu.memory_space<hbm>> -> memref<64xf32, #tpu.memory_space<hbm>>
      tpu.wait_dma2 semaphore(%arg7 : memref<!tpu.dma_semaphore, #tpu.memory_space<semaphore_mem>>) src(%dma_wait3A_777 : memref<64xf32, #tpu.memory_space<hbm>>) dst(%dma_wait3A_774 : memref<64xf32, #tpu.memory_space<vmem>>)
      %dma_wait3A_778 = arith.constant 64 : i32
      %dma_wait3A_779 = tpu.memref_slice %arg6[%add3A_128, %dma_wait3A_778] : memref<512x128xf32, #tpu.memory_space<vmem>> -> memref<1x64xf32, #tpu.memory_space<vmem>>
      %dma_wait3A_780 = tpu.memref_squeeze %dma_wait3A_779 : memref<1x64xf32, #tpu.memory_space<vmem>> -> memref<64xf32, #tpu.memory_space<vmem>>
      %dma_wait3A_781 = arith.constant 0 : i32
      %dma_wait3A_782 = tpu.memref_slice %arg2[%shift_right_arithmetic3A_122, %and3A_124, %dma_wait3A_781] : memref<125000x8x64xf32, #tpu.memory_space<hbm>> -> memref<1x1x64xf32, #tpu.memory_space<hbm>>
      %dma_wait3A_783 = tpu.memref_squeeze %dma_wait3A_782 : memref<1x1x64xf32, #tpu.memory_space<hbm>> -> memref<64xf32, #tpu.memory_space<hbm>>
      %dma_wait3A_784 = arith.constant 64 : i32
      %dma_wait3A_785 = tpu.memref_slice %arg6[%add3A_128, %dma_wait3A_784] : memref<512x128xf32, #tpu.memory_space<vmem>> -> memref<1x64xf32, #tpu.memory_space<vmem>>
      %dma_wait3A_786 = tpu.memref_squeeze %dma_wait3A_785 : memref<1x64xf32, #tpu.memory_space<vmem>> -> memref<64xf32, #tpu.memory_space<vmem>>
      %dma_wait3A_787 = arith.constant 0 : i32
      %dma_wait3A_788 = tpu.memref_slice %arg2[%shift_right_arithmetic3A_122, %and3A_124, %dma_wait3A_787] : memref<125000x8x64xf32, #tpu.memory_space<hbm>> -> memref<1x1x64xf32, #tpu.memory_space<hbm>>
      %dma_wait3A_789 = tpu.memref_squeeze %dma_wait3A_788 : memref<1x1x64xf32, #tpu.memory_space<hbm>> -> memref<64xf32, #tpu.memory_space<hbm>>
      tpu.wait_dma2 semaphore(%arg7 : memref<!tpu.dma_semaphore, #tpu.memory_space<semaphore_mem>>) src(%dma_wait3A_789 : memref<64xf32, #tpu.memory_space<hbm>>) dst(%dma_wait3A_786 : memref<64xf32, #tpu.memory_space<vmem>>)
      %dma_wait3A_790 = arith.constant 0 : i32
      %dma_wait3A_791 = tpu.memref_slice %arg6[%add3A_150, %dma_wait3A_790] : memref<512x128xf32, #tpu.memory_space<vmem>> -> memref<1x64xf32, #tpu.memory_space<vmem>>
      %dma_wait3A_792 = tpu.memref_squeeze %dma_wait3A_791 : memref<1x64xf32, #tpu.memory_space<vmem>> -> memref<64xf32, #tpu.memory_space<vmem>>
      %dma_wait3A_793 = arith.constant 0 : i32
      %dma_wait3A_794 = tpu.memref_slice %arg2[%shift_right_arithmetic3A_144, %and3A_146, %dma_wait3A_793] : memref<125000x8x64xf32, #tpu.memory_space<hbm>> -> memref<1x1x64xf32, #tpu.memory_space<hbm>>
      %dma_wait3A_795 = tpu.memref_squeeze %dma_wait3A_794 : memref<1x1x64xf32, #tpu.memory_space<hbm>> -> memref<64xf32, #tpu.memory_space<hbm>>
      %dma_wait3A_796 = arith.constant 0 : i32
      %dma_wait3A_797 = tpu.memref_slice %arg6[%add3A_150, %dma_wait3A_796] : memref<512x128xf32, #tpu.memory_space<vmem>> -> memref<1x64xf32, #tpu.memory_space<vmem>>
      %dma_wait3A_798 = tpu.memref_squeeze %dma_wait3A_797 : memref<1x64xf32, #tpu.memory_space<vmem>> -> memref<64xf32, #tpu.memory_space<vmem>>
      %dma_wait3A_799 = arith.constant 0 : i32
      %dma_wait3A_800 = tpu.memref_slice %arg2[%shift_right_arithmetic3A_144, %and3A_146, %dma_wait3A_799] : memref<125000x8x64xf32, #tpu.memory_space<hbm>> -> memref<1x1x64xf32, #tpu.memory_space<hbm>>
      %dma_wait3A_801 = tpu.memref_squeeze %dma_wait3A_800 : memref<1x1x64xf32, #tpu.memory_space<hbm>> -> memref<64xf32, #tpu.memory_space<hbm>>
      tpu.wait_dma2 semaphore(%arg7 : memref<!tpu.dma_semaphore, #tpu.memory_space<semaphore_mem>>) src(%dma_wait3A_801 : memref<64xf32, #tpu.memory_space<hbm>>) dst(%dma_wait3A_798 : memref<64xf32, #tpu.memory_space<vmem>>)
      %dma_wait3A_802 = arith.constant 64 : i32
      %dma_wait3A_803 = tpu.memref_slice %arg6[%add3A_172, %dma_wait3A_802] : memref<512x128xf32, #tpu.memory_space<vmem>> -> memref<1x64xf32, #tpu.memory_space<vmem>>
      %dma_wait3A_804 = tpu.memref_squeeze %dma_wait3A_803 : memref<1x64xf32, #tpu.memory_space<vmem>> -> memref<64xf32, #tpu.memory_space<vmem>>
      %dma_wait3A_805 = arith.constant 0 : i32
      %dma_wait3A_806 = tpu.memref_slice %arg2[%shift_right_arithmetic3A_166, %and3A_168, %dma_wait3A_805] : memref<125000x8x64xf32, #tpu.memory_space<hbm>> -> memref<1x1x64xf32, #tpu.memory_space<hbm>>
      %dma_wait3A_807 = tpu.memref_squeeze %dma_wait3A_806 : memref<1x1x64xf32, #tpu.memory_space<hbm>> -> memref<64xf32, #tpu.memory_space<hbm>>
      %dma_wait3A_808 = arith.constant 64 : i32
      %dma_wait3A_809 = tpu.memref_slice %arg6[%add3A_172, %dma_wait3A_808] : memref<512x128xf32, #tpu.memory_space<vmem>> -> memref<1x64xf32, #tpu.memory_space<vmem>>
      %dma_wait3A_810 = tpu.memref_squeeze %dma_wait3A_809 : memref<1x64xf32, #tpu.memory_space<vmem>> -> memref<64xf32, #tpu.memory_space<vmem>>
      %dma_wait3A_811 = arith.constant 0 : i32
      %dma_wait3A_812 = tpu.memref_slice %arg2[%shift_right_arithmetic3A_166, %and3A_168, %dma_wait3A_811] : memref<125000x8x64xf32, #tpu.memory_space<hbm>> -> memref<1x1x64xf32, #tpu.memory_space<hbm>>
      %dma_wait3A_813 = tpu.memref_squeeze %dma_wait3A_812 : memref<1x1x64xf32, #tpu.memory_space<hbm>> -> memref<64xf32, #tpu.memory_space<hbm>>
      tpu.wait_dma2 semaphore(%arg7 : memref<!tpu.dma_semaphore, #tpu.memory_space<semaphore_mem>>) src(%dma_wait3A_813 : memref<64xf32, #tpu.memory_space<hbm>>) dst(%dma_wait3A_810 : memref<64xf32, #tpu.memory_space<vmem>>)
      %dma_wait3A_814 = arith.constant 0 : i32
      %dma_wait3A_815 = tpu.memref_slice %arg6[%add3A_194, %dma_wait3A_814] : memref<512x128xf32, #tpu.memory_space<vmem>> -> memref<1x64xf32, #tpu.memory_space<vmem>>
      %dma_wait3A_816 = tpu.memref_squeeze %dma_wait3A_815 : memref<1x64xf32, #tpu.memory_space<vmem>> -> memref<64xf32, #tpu.memory_space<vmem>>
      %dma_wait3A_817 = arith.constant 0 : i32
      %dma_wait3A_818 = tpu.memref_slice %arg2[%shift_right_arithmetic3A_188, %and3A_190, %dma_wait3A_817] : memref<125000x8x64xf32, #tpu.memory_space<hbm>> -> memref<1x1x64xf32, #tpu.memory_space<hbm>>
      %dma_wait3A_819 = tpu.memref_squeeze %dma_wait3A_818 : memref<1x1x64xf32, #tpu.memory_space<hbm>> -> memref<64xf32, #tpu.memory_space<hbm>>
      %dma_wait3A_820 = arith.constant 0 : i32
      %dma_wait3A_821 = tpu.memref_slice %arg6[%add3A_194, %dma_wait3A_820] : memref<512x128xf32, #tpu.memory_space<vmem>> -> memref<1x64xf32, #tpu.memory_space<vmem>>
      %dma_wait3A_822 = tpu.memref_squeeze %dma_wait3A_821 : memref<1x64xf32, #tpu.memory_space<vmem>> -> memref<64xf32, #tpu.memory_space<vmem>>
      %dma_wait3A_823 = arith.constant 0 : i32
      %dma_wait3A_824 = tpu.memref_slice %arg2[%shift_right_arithmetic3A_188, %and3A_190, %dma_wait3A_823] : memref<125000x8x64xf32, #tpu.memory_space<hbm>> -> memref<1x1x64xf32, #tpu.memory_space<hbm>>
      %dma_wait3A_825 = tpu.memref_squeeze %dma_wait3A_824 : memref<1x1x64xf32, #tpu.memory_space<hbm>> -> memref<64xf32, #tpu.memory_space<hbm>>
      tpu.wait_dma2 semaphore(%arg7 : memref<!tpu.dma_semaphore, #tpu.memory_space<semaphore_mem>>) src(%dma_wait3A_825 : memref<64xf32, #tpu.memory_space<hbm>>) dst(%dma_wait3A_822 : memref<64xf32, #tpu.memory_space<vmem>>)
      %dma_wait3A_826 = arith.constant 64 : i32
      %dma_wait3A_827 = tpu.memref_slice %arg6[%add3A_216, %dma_wait3A_826] : memref<512x128xf32, #tpu.memory_space<vmem>> -> memref<1x64xf32, #tpu.memory_space<vmem>>
      %dma_wait3A_828 = tpu.memref_squeeze %dma_wait3A_827 : memref<1x64xf32, #tpu.memory_space<vmem>> -> memref<64xf32, #tpu.memory_space<vmem>>
      %dma_wait3A_829 = arith.constant 0 : i32
      %dma_wait3A_830 = tpu.memref_slice %arg2[%shift_right_arithmetic3A_210, %and3A_212, %dma_wait3A_829] : memref<125000x8x64xf32, #tpu.memory_space<hbm>> -> memref<1x1x64xf32, #tpu.memory_space<hbm>>
      %dma_wait3A_831 = tpu.memref_squeeze %dma_wait3A_830 : memref<1x1x64xf32, #tpu.memory_space<hbm>> -> memref<64xf32, #tpu.memory_space<hbm>>
      %dma_wait3A_832 = arith.constant 64 : i32
      %dma_wait3A_833 = tpu.memref_slice %arg6[%add3A_216, %dma_wait3A_832] : memref<512x128xf32, #tpu.memory_space<vmem>> -> memref<1x64xf32, #tpu.memory_space<vmem>>
      %dma_wait3A_834 = tpu.memref_squeeze %dma_wait3A_833 : memref<1x64xf32, #tpu.memory_space<vmem>> -> memref<64xf32, #tpu.memory_space<vmem>>
      %dma_wait3A_835 = arith.constant 0 : i32
      %dma_wait3A_836 = tpu.memref_slice %arg2[%shift_right_arithmetic3A_210, %and3A_212, %dma_wait3A_835] : memref<125000x8x64xf32, #tpu.memory_space<hbm>> -> memref<1x1x64xf32, #tpu.memory_space<hbm>>
      %dma_wait3A_837 = tpu.memref_squeeze %dma_wait3A_836 : memref<1x1x64xf32, #tpu.memory_space<hbm>> -> memref<64xf32, #tpu.memory_space<hbm>>
      tpu.wait_dma2 semaphore(%arg7 : memref<!tpu.dma_semaphore, #tpu.memory_space<semaphore_mem>>) src(%dma_wait3A_837 : memref<64xf32, #tpu.memory_space<hbm>>) dst(%dma_wait3A_834 : memref<64xf32, #tpu.memory_space<vmem>>)
      %dma_wait3A_838 = arith.constant 0 : i32
      %dma_wait3A_839 = tpu.memref_slice %arg6[%add3A_238, %dma_wait3A_838] : memref<512x128xf32, #tpu.memory_space<vmem>> -> memref<1x64xf32, #tpu.memory_space<vmem>>
      %dma_wait3A_840 = tpu.memref_squeeze %dma_wait3A_839 : memref<1x64xf32, #tpu.memory_space<vmem>> -> memref<64xf32, #tpu.memory_space<vmem>>
      %dma_wait3A_841 = arith.constant 0 : i32
      %dma_wait3A_842 = tpu.memref_slice %arg2[%shift_right_arithmetic3A_232, %and3A_234, %dma_wait3A_841] : memref<125000x8x64xf32, #tpu.memory_space<hbm>> -> memref<1x1x64xf32, #tpu.memory_space<hbm>>
      %dma_wait3A_843 = tpu.memref_squeeze %dma_wait3A_842 : memref<1x1x64xf32, #tpu.memory_space<hbm>> -> memref<64xf32, #tpu.memory_space<hbm>>
      %dma_wait3A_844 = arith.constant 0 : i32
      %dma_wait3A_845 = tpu.memref_slice %arg6[%add3A_238, %dma_wait3A_844] : memref<512x128xf32, #tpu.memory_space<vmem>> -> memref<1x64xf32, #tpu.memory_space<vmem>>
      %dma_wait3A_846 = tpu.memref_squeeze %dma_wait3A_845 : memref<1x64xf32, #tpu.memory_space<vmem>> -> memref<64xf32, #tpu.memory_space<vmem>>
      %dma_wait3A_847 = arith.constant 0 : i32
      %dma_wait3A_848 = tpu.memref_slice %arg2[%shift_right_arithmetic3A_232, %and3A_234, %dma_wait3A_847] : memref<125000x8x64xf32, #tpu.memory_space<hbm>> -> memref<1x1x64xf32, #tpu.memory_space<hbm>>
      %dma_wait3A_849 = tpu.memref_squeeze %dma_wait3A_848 : memref<1x1x64xf32, #tpu.memory_space<hbm>> -> memref<64xf32, #tpu.memory_space<hbm>>
      tpu.wait_dma2 semaphore(%arg7 : memref<!tpu.dma_semaphore, #tpu.memory_space<semaphore_mem>>) src(%dma_wait3A_849 : memref<64xf32, #tpu.memory_space<hbm>>) dst(%dma_wait3A_846 : memref<64xf32, #tpu.memory_space<vmem>>)
      %dma_wait3A_850 = arith.constant 64 : i32
      %dma_wait3A_851 = tpu.memref_slice %arg6[%add3A_260, %dma_wait3A_850] : memref<512x128xf32, #tpu.memory_space<vmem>> -> memref<1x64xf32, #tpu.memory_space<vmem>>
      %dma_wait3A_852 = tpu.memref_squeeze %dma_wait3A_851 : memref<1x64xf32, #tpu.memory_space<vmem>> -> memref<64xf32, #tpu.memory_space<vmem>>
      %dma_wait3A_853 = arith.constant 0 : i32
      %dma_wait3A_854 = tpu.memref_slice %arg2[%shift_right_arithmetic3A_254, %and3A_256, %dma_wait3A_853] : memref<125000x8x64xf32, #tpu.memory_space<hbm>> -> memref<1x1x64xf32, #tpu.memory_space<hbm>>
      %dma_wait3A_855 = tpu.memref_squeeze %dma_wait3A_854 : memref<1x1x64xf32, #tpu.memory_space<hbm>> -> memref<64xf32, #tpu.memory_space<hbm>>
      %dma_wait3A_856 = arith.constant 64 : i32
      %dma_wait3A_857 = tpu.memref_slice %arg6[%add3A_260, %dma_wait3A_856] : memref<512x128xf32, #tpu.memory_space<vmem>> -> memref<1x64xf32, #tpu.memory_space<vmem>>
      %dma_wait3A_858 = tpu.memref_squeeze %dma_wait3A_857 : memref<1x64xf32, #tpu.memory_space<vmem>> -> memref<64xf32, #tpu.memory_space<vmem>>
      %dma_wait3A_859 = arith.constant 0 : i32
      %dma_wait3A_860 = tpu.memref_slice %arg2[%shift_right_arithmetic3A_254, %and3A_256, %dma_wait3A_859] : memref<125000x8x64xf32, #tpu.memory_space<hbm>> -> memref<1x1x64xf32, #tpu.memory_space<hbm>>
      %dma_wait3A_861 = tpu.memref_squeeze %dma_wait3A_860 : memref<1x1x64xf32, #tpu.memory_space<hbm>> -> memref<64xf32, #tpu.memory_space<hbm>>
      tpu.wait_dma2 semaphore(%arg7 : memref<!tpu.dma_semaphore, #tpu.memory_space<semaphore_mem>>) src(%dma_wait3A_861 : memref<64xf32, #tpu.memory_space<hbm>>) dst(%dma_wait3A_858 : memref<64xf32, #tpu.memory_space<vmem>>)
      %dma_wait3A_862 = arith.constant 0 : i32
      %dma_wait3A_863 = tpu.memref_slice %arg6[%add3A_282, %dma_wait3A_862] : memref<512x128xf32, #tpu.memory_space<vmem>> -> memref<1x64xf32, #tpu.memory_space<vmem>>
      %dma_wait3A_864 = tpu.memref_squeeze %dma_wait3A_863 : memref<1x64xf32, #tpu.memory_space<vmem>> -> memref<64xf32, #tpu.memory_space<vmem>>
      %dma_wait3A_865 = arith.constant 0 : i32
      %dma_wait3A_866 = tpu.memref_slice %arg2[%shift_right_arithmetic3A_276, %and3A_278, %dma_wait3A_865] : memref<125000x8x64xf32, #tpu.memory_space<hbm>> -> memref<1x1x64xf32, #tpu.memory_space<hbm>>
      %dma_wait3A_867 = tpu.memref_squeeze %dma_wait3A_866 : memref<1x1x64xf32, #tpu.memory_space<hbm>> -> memref<64xf32, #tpu.memory_space<hbm>>
      %dma_wait3A_868 = arith.constant 0 : i32
      %dma_wait3A_869 = tpu.memref_slice %arg6[%add3A_282, %dma_wait3A_868] : memref<512x128xf32, #tpu.memory_space<vmem>> -> memref<1x64xf32, #tpu.memory_space<vmem>>
      %dma_wait3A_870 = tpu.memref_squeeze %dma_wait3A_869 : memref<1x64xf32, #tpu.memory_space<vmem>> -> memref<64xf32, #tpu.memory_space<vmem>>
      %dma_wait3A_871 = arith.constant 0 : i32
      %dma_wait3A_872 = tpu.memref_slice %arg2[%shift_right_arithmetic3A_276, %and3A_278, %dma_wait3A_871] : memref<125000x8x64xf32, #tpu.memory_space<hbm>> -> memref<1x1x64xf32, #tpu.memory_space<hbm>>
      %dma_wait3A_873 = tpu.memref_squeeze %dma_wait3A_872 : memref<1x1x64xf32, #tpu.memory_space<hbm>> -> memref<64xf32, #tpu.memory_space<hbm>>
      tpu.wait_dma2 semaphore(%arg7 : memref<!tpu.dma_semaphore, #tpu.memory_space<semaphore_mem>>) src(%dma_wait3A_873 : memref<64xf32, #tpu.memory_space<hbm>>) dst(%dma_wait3A_870 : memref<64xf32, #tpu.memory_space<vmem>>)
      %dma_wait3A_874 = arith.constant 64 : i32
      %dma_wait3A_875 = tpu.memref_slice %arg6[%add3A_304, %dma_wait3A_874] : memref<512x128xf32, #tpu.memory_space<vmem>> -> memref<1x64xf32, #tpu.memory_space<vmem>>
      %dma_wait3A_876 = tpu.memref_squeeze %dma_wait3A_875 : memref<1x64xf32, #tpu.memory_space<vmem>> -> memref<64xf32, #tpu.memory_space<vmem>>
      %dma_wait3A_877 = arith.constant 0 : i32
      %dma_wait3A_878 = tpu.memref_slice %arg2[%shift_right_arithmetic3A_298, %and3A_300, %dma_wait3A_877] : memref<125000x8x64xf32, #tpu.memory_space<hbm>> -> memref<1x1x64xf32, #tpu.memory_space<hbm>>
      %dma_wait3A_879 = tpu.memref_squeeze %dma_wait3A_878 : memref<1x1x64xf32, #tpu.memory_space<hbm>> -> memref<64xf32, #tpu.memory_space<hbm>>
      %dma_wait3A_880 = arith.constant 64 : i32
      %dma_wait3A_881 = tpu.memref_slice %arg6[%add3A_304, %dma_wait3A_880] : memref<512x128xf32, #tpu.memory_space<vmem>> -> memref<1x64xf32, #tpu.memory_space<vmem>>
      %dma_wait3A_882 = tpu.memref_squeeze %dma_wait3A_881 : memref<1x64xf32, #tpu.memory_space<vmem>> -> memref<64xf32, #tpu.memory_space<vmem>>
      %dma_wait3A_883 = arith.constant 0 : i32
      %dma_wait3A_884 = tpu.memref_slice %arg2[%shift_right_arithmetic3A_298, %and3A_300, %dma_wait3A_883] : memref<125000x8x64xf32, #tpu.memory_space<hbm>> -> memref<1x1x64xf32, #tpu.memory_space<hbm>>
      %dma_wait3A_885 = tpu.memref_squeeze %dma_wait3A_884 : memref<1x1x64xf32, #tpu.memory_space<hbm>> -> memref<64xf32, #tpu.memory_space<hbm>>
      tpu.wait_dma2 semaphore(%arg7 : memref<!tpu.dma_semaphore, #tpu.memory_space<semaphore_mem>>) src(%dma_wait3A_885 : memref<64xf32, #tpu.memory_space<hbm>>) dst(%dma_wait3A_882 : memref<64xf32, #tpu.memory_space<vmem>>)
      %dma_wait3A_886 = arith.constant 0 : i32
      %dma_wait3A_887 = tpu.memref_slice %arg6[%add3A_326, %dma_wait3A_886] : memref<512x128xf32, #tpu.memory_space<vmem>> -> memref<1x64xf32, #tpu.memory_space<vmem>>
      %dma_wait3A_888 = tpu.memref_squeeze %dma_wait3A_887 : memref<1x64xf32, #tpu.memory_space<vmem>> -> memref<64xf32, #tpu.memory_space<vmem>>
      %dma_wait3A_889 = arith.constant 0 : i32
      %dma_wait3A_890 = tpu.memref_slice %arg2[%shift_right_arithmetic3A_320, %and3A_322, %dma_wait3A_889] : memref<125000x8x64xf32, #tpu.memory_space<hbm>> -> memref<1x1x64xf32, #tpu.memory_space<hbm>>
      %dma_wait3A_891 = tpu.memref_squeeze %dma_wait3A_890 : memref<1x1x64xf32, #tpu.memory_space<hbm>> -> memref<64xf32, #tpu.memory_space<hbm>>
      %dma_wait3A_892 = arith.constant 0 : i32
      %dma_wait3A_893 = tpu.memref_slice %arg6[%add3A_326, %dma_wait3A_892] : memref<512x128xf32, #tpu.memory_space<vmem>> -> memref<1x64xf32, #tpu.memory_space<vmem>>
      %dma_wait3A_894 = tpu.memref_squeeze %dma_wait3A_893 : memref<1x64xf32, #tpu.memory_space<vmem>> -> memref<64xf32, #tpu.memory_space<vmem>>
      %dma_wait3A_895 = arith.constant 0 : i32
      %dma_wait3A_896 = tpu.memref_slice %arg2[%shift_right_arithmetic3A_320, %and3A_322, %dma_wait3A_895] : memref<125000x8x64xf32, #tpu.memory_space<hbm>> -> memref<1x1x64xf32, #tpu.memory_space<hbm>>
      %dma_wait3A_897 = tpu.memref_squeeze %dma_wait3A_896 : memref<1x1x64xf32, #tpu.memory_space<hbm>> -> memref<64xf32, #tpu.memory_space<hbm>>
      tpu.wait_dma2 semaphore(%arg7 : memref<!tpu.dma_semaphore, #tpu.memory_space<semaphore_mem>>) src(%dma_wait3A_897 : memref<64xf32, #tpu.memory_space<hbm>>) dst(%dma_wait3A_894 : memref<64xf32, #tpu.memory_space<vmem>>)
      %dma_wait3A_898 = arith.constant 64 : i32
      %dma_wait3A_899 = tpu.memref_slice %arg6[%add3A_348, %dma_wait3A_898] : memref<512x128xf32, #tpu.memory_space<vmem>> -> memref<1x64xf32, #tpu.memory_space<vmem>>
      %dma_wait3A_900 = tpu.memref_squeeze %dma_wait3A_899 : memref<1x64xf32, #tpu.memory_space<vmem>> -> memref<64xf32, #tpu.memory_space<vmem>>
      %dma_wait3A_901 = arith.constant 0 : i32
      %dma_wait3A_902 = tpu.memref_slice %arg2[%shift_right_arithmetic3A_342, %and3A_344, %dma_wait3A_901] : memref<125000x8x64xf32, #tpu.memory_space<hbm>> -> memref<1x1x64xf32, #tpu.memory_space<hbm>>
      %dma_wait3A_903 = tpu.memref_squeeze %dma_wait3A_902 : memref<1x1x64xf32, #tpu.memory_space<hbm>> -> memref<64xf32, #tpu.memory_space<hbm>>
      %dma_wait3A_904 = arith.constant 64 : i32
      %dma_wait3A_905 = tpu.memref_slice %arg6[%add3A_348, %dma_wait3A_904] : memref<512x128xf32, #tpu.memory_space<vmem>> -> memref<1x64xf32, #tpu.memory_space<vmem>>
      %dma_wait3A_906 = tpu.memref_squeeze %dma_wait3A_905 : memref<1x64xf32, #tpu.memory_space<vmem>> -> memref<64xf32, #tpu.memory_space<vmem>>
      %dma_wait3A_907 = arith.constant 0 : i32
      %dma_wait3A_908 = tpu.memref_slice %arg2[%shift_right_arithmetic3A_342, %and3A_344, %dma_wait3A_907] : memref<125000x8x64xf32, #tpu.memory_space<hbm>> -> memref<1x1x64xf32, #tpu.memory_space<hbm>>
      %dma_wait3A_909 = tpu.memref_squeeze %dma_wait3A_908 : memref<1x1x64xf32, #tpu.memory_space<hbm>> -> memref<64xf32, #tpu.memory_space<hbm>>
      tpu.wait_dma2 semaphore(%arg7 : memref<!tpu.dma_semaphore, #tpu.memory_space<semaphore_mem>>) src(%dma_wait3A_909 : memref<64xf32, #tpu.memory_space<hbm>>) dst(%dma_wait3A_906 : memref<64xf32, #tpu.memory_space<vmem>>)
      %dma_wait3A_910 = arith.constant 0 : i32
      %dma_wait3A_911 = tpu.memref_slice %arg6[%add3A_376, %dma_wait3A_910] : memref<512x128xf32, #tpu.memory_space<vmem>> -> memref<1x64xf32, #tpu.memory_space<vmem>>
      %dma_wait3A_912 = tpu.memref_squeeze %dma_wait3A_911 : memref<1x64xf32, #tpu.memory_space<vmem>> -> memref<64xf32, #tpu.memory_space<vmem>>
      %dma_wait3A_913 = arith.constant 0 : i32
      %dma_wait3A_914 = tpu.memref_slice %arg2[%shift_right_arithmetic3A_370, %and3A_372, %dma_wait3A_913] : memref<125000x8x64xf32, #tpu.memory_space<hbm>> -> memref<1x1x64xf32, #tpu.memory_space<hbm>>
      %dma_wait3A_915 = tpu.memref_squeeze %dma_wait3A_914 : memref<1x1x64xf32, #tpu.memory_space<hbm>> -> memref<64xf32, #tpu.memory_space<hbm>>
      %dma_wait3A_916 = arith.constant 0 : i32
      %dma_wait3A_917 = tpu.memref_slice %arg6[%add3A_376, %dma_wait3A_916] : memref<512x128xf32, #tpu.memory_space<vmem>> -> memref<1x64xf32, #tpu.memory_space<vmem>>
      %dma_wait3A_918 = tpu.memref_squeeze %dma_wait3A_917 : memref<1x64xf32, #tpu.memory_space<vmem>> -> memref<64xf32, #tpu.memory_space<vmem>>
      %dma_wait3A_919 = arith.constant 0 : i32
      %dma_wait3A_920 = tpu.memref_slice %arg2[%shift_right_arithmetic3A_370, %and3A_372, %dma_wait3A_919] : memref<125000x8x64xf32, #tpu.memory_space<hbm>> -> memref<1x1x64xf32, #tpu.memory_space<hbm>>
      %dma_wait3A_921 = tpu.memref_squeeze %dma_wait3A_920 : memref<1x1x64xf32, #tpu.memory_space<hbm>> -> memref<64xf32, #tpu.memory_space<hbm>>
      tpu.wait_dma2 semaphore(%arg7 : memref<!tpu.dma_semaphore, #tpu.memory_space<semaphore_mem>>) src(%dma_wait3A_921 : memref<64xf32, #tpu.memory_space<hbm>>) dst(%dma_wait3A_918 : memref<64xf32, #tpu.memory_space<vmem>>)
      %dma_wait3A_922 = arith.constant 64 : i32
      %dma_wait3A_923 = tpu.memref_slice %arg6[%add3A_398, %dma_wait3A_922] : memref<512x128xf32, #tpu.memory_space<vmem>> -> memref<1x64xf32, #tpu.memory_space<vmem>>
      %dma_wait3A_924 = tpu.memref_squeeze %dma_wait3A_923 : memref<1x64xf32, #tpu.memory_space<vmem>> -> memref<64xf32, #tpu.memory_space<vmem>>
      %dma_wait3A_925 = arith.constant 0 : i32
      %dma_wait3A_926 = tpu.memref_slice %arg2[%shift_right_arithmetic3A_392, %and3A_394, %dma_wait3A_925] : memref<125000x8x64xf32, #tpu.memory_space<hbm>> -> memref<1x1x64xf32, #tpu.memory_space<hbm>>
      %dma_wait3A_927 = tpu.memref_squeeze %dma_wait3A_926 : memref<1x1x64xf32, #tpu.memory_space<hbm>> -> memref<64xf32, #tpu.memory_space<hbm>>
      %dma_wait3A_928 = arith.constant 64 : i32
      %dma_wait3A_929 = tpu.memref_slice %arg6[%add3A_398, %dma_wait3A_928] : memref<512x128xf32, #tpu.memory_space<vmem>> -> memref<1x64xf32, #tpu.memory_space<vmem>>
      %dma_wait3A_930 = tpu.memref_squeeze %dma_wait3A_929 : memref<1x64xf32, #tpu.memory_space<vmem>> -> memref<64xf32, #tpu.memory_space<vmem>>
      %dma_wait3A_931 = arith.constant 0 : i32
      %dma_wait3A_932 = tpu.memref_slice %arg2[%shift_right_arithmetic3A_392, %and3A_394, %dma_wait3A_931] : memref<125000x8x64xf32, #tpu.memory_space<hbm>> -> memref<1x1x64xf32, #tpu.memory_space<hbm>>
      %dma_wait3A_933 = tpu.memref_squeeze %dma_wait3A_932 : memref<1x1x64xf32, #tpu.memory_space<hbm>> -> memref<64xf32, #tpu.memory_space<hbm>>
      tpu.wait_dma2 semaphore(%arg7 : memref<!tpu.dma_semaphore, #tpu.memory_space<semaphore_mem>>) src(%dma_wait3A_933 : memref<64xf32, #tpu.memory_space<hbm>>) dst(%dma_wait3A_930 : memref<64xf32, #tpu.memory_space<vmem>>)
      %dma_wait3A_934 = arith.constant 0 : i32
      %dma_wait3A_935 = tpu.memref_slice %arg6[%add3A_420, %dma_wait3A_934] : memref<512x128xf32, #tpu.memory_space<vmem>> -> memref<1x64xf32, #tpu.memory_space<vmem>>
      %dma_wait3A_936 = tpu.memref_squeeze %dma_wait3A_935 : memref<1x64xf32, #tpu.memory_space<vmem>> -> memref<64xf32, #tpu.memory_space<vmem>>
      %dma_wait3A_937 = arith.constant 0 : i32
      %dma_wait3A_938 = tpu.memref_slice %arg2[%shift_right_arithmetic3A_414, %and3A_416, %dma_wait3A_937] : memref<125000x8x64xf32, #tpu.memory_space<hbm>> -> memref<1x1x64xf32, #tpu.memory_space<hbm>>
      %dma_wait3A_939 = tpu.memref_squeeze %dma_wait3A_938 : memref<1x1x64xf32, #tpu.memory_space<hbm>> -> memref<64xf32, #tpu.memory_space<hbm>>
      %dma_wait3A_940 = arith.constant 0 : i32
      %dma_wait3A_941 = tpu.memref_slice %arg6[%add3A_420, %dma_wait3A_940] : memref<512x128xf32, #tpu.memory_space<vmem>> -> memref<1x64xf32, #tpu.memory_space<vmem>>
      %dma_wait3A_942 = tpu.memref_squeeze %dma_wait3A_941 : memref<1x64xf32, #tpu.memory_space<vmem>> -> memref<64xf32, #tpu.memory_space<vmem>>
      %dma_wait3A_943 = arith.constant 0 : i32
      %dma_wait3A_944 = tpu.memref_slice %arg2[%shift_right_arithmetic3A_414, %and3A_416, %dma_wait3A_943] : memref<125000x8x64xf32, #tpu.memory_space<hbm>> -> memref<1x1x64xf32, #tpu.memory_space<hbm>>
      %dma_wait3A_945 = tpu.memref_squeeze %dma_wait3A_944 : memref<1x1x64xf32, #tpu.memory_space<hbm>> -> memref<64xf32, #tpu.memory_space<hbm>>
      tpu.wait_dma2 semaphore(%arg7 : memref<!tpu.dma_semaphore, #tpu.memory_space<semaphore_mem>>) src(%dma_wait3A_945 : memref<64xf32, #tpu.memory_space<hbm>>) dst(%dma_wait3A_942 : memref<64xf32, #tpu.memory_space<vmem>>)
      %dma_wait3A_946 = arith.constant 64 : i32
      %dma_wait3A_947 = tpu.memref_slice %arg6[%add3A_442, %dma_wait3A_946] : memref<512x128xf32, #tpu.memory_space<vmem>> -> memref<1x64xf32, #tpu.memory_space<vmem>>
      %dma_wait3A_948 = tpu.memref_squeeze %dma_wait3A_947 : memref<1x64xf32, #tpu.memory_space<vmem>> -> memref<64xf32, #tpu.memory_space<vmem>>
      %dma_wait3A_949 = arith.constant 0 : i32
      %dma_wait3A_950 = tpu.memref_slice %arg2[%shift_right_arithmetic3A_436, %and3A_438, %dma_wait3A_949] : memref<125000x8x64xf32, #tpu.memory_space<hbm>> -> memref<1x1x64xf32, #tpu.memory_space<hbm>>
      %dma_wait3A_951 = tpu.memref_squeeze %dma_wait3A_950 : memref<1x1x64xf32, #tpu.memory_space<hbm>> -> memref<64xf32, #tpu.memory_space<hbm>>
      %dma_wait3A_952 = arith.constant 64 : i32
      %dma_wait3A_953 = tpu.memref_slice %arg6[%add3A_442, %dma_wait3A_952] : memref<512x128xf32, #tpu.memory_space<vmem>> -> memref<1x64xf32, #tpu.memory_space<vmem>>
      %dma_wait3A_954 = tpu.memref_squeeze %dma_wait3A_953 : memref<1x64xf32, #tpu.memory_space<vmem>> -> memref<64xf32, #tpu.memory_space<vmem>>
      %dma_wait3A_955 = arith.constant 0 : i32
      %dma_wait3A_956 = tpu.memref_slice %arg2[%shift_right_arithmetic3A_436, %and3A_438, %dma_wait3A_955] : memref<125000x8x64xf32, #tpu.memory_space<hbm>> -> memref<1x1x64xf32, #tpu.memory_space<hbm>>
      %dma_wait3A_957 = tpu.memref_squeeze %dma_wait3A_956 : memref<1x1x64xf32, #tpu.memory_space<hbm>> -> memref<64xf32, #tpu.memory_space<hbm>>
      tpu.wait_dma2 semaphore(%arg7 : memref<!tpu.dma_semaphore, #tpu.memory_space<semaphore_mem>>) src(%dma_wait3A_957 : memref<64xf32, #tpu.memory_space<hbm>>) dst(%dma_wait3A_954 : memref<64xf32, #tpu.memory_space<vmem>>)
      %dma_wait3A_958 = arith.constant 0 : i32
      %dma_wait3A_959 = tpu.memref_slice %arg6[%add3A_464, %dma_wait3A_958] : memref<512x128xf32, #tpu.memory_space<vmem>> -> memref<1x64xf32, #tpu.memory_space<vmem>>
      %dma_wait3A_960 = tpu.memref_squeeze %dma_wait3A_959 : memref<1x64xf32, #tpu.memory_space<vmem>> -> memref<64xf32, #tpu.memory_space<vmem>>
      %dma_wait3A_961 = arith.constant 0 : i32
      %dma_wait3A_962 = tpu.memref_slice %arg2[%shift_right_arithmetic3A_458, %and3A_460, %dma_wait3A_961] : memref<125000x8x64xf32, #tpu.memory_space<hbm>> -> memref<1x1x64xf32, #tpu.memory_space<hbm>>
      %dma_wait3A_963 = tpu.memref_squeeze %dma_wait3A_962 : memref<1x1x64xf32, #tpu.memory_space<hbm>> -> memref<64xf32, #tpu.memory_space<hbm>>
      %dma_wait3A_964 = arith.constant 0 : i32
      %dma_wait3A_965 = tpu.memref_slice %arg6[%add3A_464, %dma_wait3A_964] : memref<512x128xf32, #tpu.memory_space<vmem>> -> memref<1x64xf32, #tpu.memory_space<vmem>>
      %dma_wait3A_966 = tpu.memref_squeeze %dma_wait3A_965 : memref<1x64xf32, #tpu.memory_space<vmem>> -> memref<64xf32, #tpu.memory_space<vmem>>
      %dma_wait3A_967 = arith.constant 0 : i32
      %dma_wait3A_968 = tpu.memref_slice %arg2[%shift_right_arithmetic3A_458, %and3A_460, %dma_wait3A_967] : memref<125000x8x64xf32, #tpu.memory_space<hbm>> -> memref<1x1x64xf32, #tpu.memory_space<hbm>>
      %dma_wait3A_969 = tpu.memref_squeeze %dma_wait3A_968 : memref<1x1x64xf32, #tpu.memory_space<hbm>> -> memref<64xf32, #tpu.memory_space<hbm>>
      tpu.wait_dma2 semaphore(%arg7 : memref<!tpu.dma_semaphore, #tpu.memory_space<semaphore_mem>>) src(%dma_wait3A_969 : memref<64xf32, #tpu.memory_space<hbm>>) dst(%dma_wait3A_966 : memref<64xf32, #tpu.memory_space<vmem>>)
      %dma_wait3A_970 = arith.constant 64 : i32
      %dma_wait3A_971 = tpu.memref_slice %arg6[%add3A_486, %dma_wait3A_970] : memref<512x128xf32, #tpu.memory_space<vmem>> -> memref<1x64xf32, #tpu.memory_space<vmem>>
      %dma_wait3A_972 = tpu.memref_squeeze %dma_wait3A_971 : memref<1x64xf32, #tpu.memory_space<vmem>> -> memref<64xf32, #tpu.memory_space<vmem>>
      %dma_wait3A_973 = arith.constant 0 : i32
      %dma_wait3A_974 = tpu.memref_slice %arg2[%shift_right_arithmetic3A_480, %and3A_482, %dma_wait3A_973] : memref<125000x8x64xf32, #tpu.memory_space<hbm>> -> memref<1x1x64xf32, #tpu.memory_space<hbm>>
      %dma_wait3A_975 = tpu.memref_squeeze %dma_wait3A_974 : memref<1x1x64xf32, #tpu.memory_space<hbm>> -> memref<64xf32, #tpu.memory_space<hbm>>
      %dma_wait3A_976 = arith.constant 64 : i32
      %dma_wait3A_977 = tpu.memref_slice %arg6[%add3A_486, %dma_wait3A_976] : memref<512x128xf32, #tpu.memory_space<vmem>> -> memref<1x64xf32, #tpu.memory_space<vmem>>
      %dma_wait3A_978 = tpu.memref_squeeze %dma_wait3A_977 : memref<1x64xf32, #tpu.memory_space<vmem>> -> memref<64xf32, #tpu.memory_space<vmem>>
      %dma_wait3A_979 = arith.constant 0 : i32
      %dma_wait3A_980 = tpu.memref_slice %arg2[%shift_right_arithmetic3A_480, %and3A_482, %dma_wait3A_979] : memref<125000x8x64xf32, #tpu.memory_space<hbm>> -> memref<1x1x64xf32, #tpu.memory_space<hbm>>
      %dma_wait3A_981 = tpu.memref_squeeze %dma_wait3A_980 : memref<1x1x64xf32, #tpu.memory_space<hbm>> -> memref<64xf32, #tpu.memory_space<hbm>>
      tpu.wait_dma2 semaphore(%arg7 : memref<!tpu.dma_semaphore, #tpu.memory_space<semaphore_mem>>) src(%dma_wait3A_981 : memref<64xf32, #tpu.memory_space<hbm>>) dst(%dma_wait3A_978 : memref<64xf32, #tpu.memory_space<vmem>>)
      %dma_wait3A_982 = arith.constant 0 : i32
      %dma_wait3A_983 = tpu.memref_slice %arg6[%add3A_508, %dma_wait3A_982] : memref<512x128xf32, #tpu.memory_space<vmem>> -> memref<1x64xf32, #tpu.memory_space<vmem>>
      %dma_wait3A_984 = tpu.memref_squeeze %dma_wait3A_983 : memref<1x64xf32, #tpu.memory_space<vmem>> -> memref<64xf32, #tpu.memory_space<vmem>>
      %dma_wait3A_985 = arith.constant 0 : i32
      %dma_wait3A_986 = tpu.memref_slice %arg2[%shift_right_arithmetic3A_502, %and3A_504, %dma_wait3A_985] : memref<125000x8x64xf32, #tpu.memory_space<hbm>> -> memref<1x1x64xf32, #tpu.memory_space<hbm>>
      %dma_wait3A_987 = tpu.memref_squeeze %dma_wait3A_986 : memref<1x1x64xf32, #tpu.memory_space<hbm>> -> memref<64xf32, #tpu.memory_space<hbm>>
      %dma_wait3A_988 = arith.constant 0 : i32
      %dma_wait3A_989 = tpu.memref_slice %arg6[%add3A_508, %dma_wait3A_988] : memref<512x128xf32, #tpu.memory_space<vmem>> -> memref<1x64xf32, #tpu.memory_space<vmem>>
      %dma_wait3A_990 = tpu.memref_squeeze %dma_wait3A_989 : memref<1x64xf32, #tpu.memory_space<vmem>> -> memref<64xf32, #tpu.memory_space<vmem>>
      %dma_wait3A_991 = arith.constant 0 : i32
      %dma_wait3A_992 = tpu.memref_slice %arg2[%shift_right_arithmetic3A_502, %and3A_504, %dma_wait3A_991] : memref<125000x8x64xf32, #tpu.memory_space<hbm>> -> memref<1x1x64xf32, #tpu.memory_space<hbm>>
      %dma_wait3A_993 = tpu.memref_squeeze %dma_wait3A_992 : memref<1x1x64xf32, #tpu.memory_space<hbm>> -> memref<64xf32, #tpu.memory_space<hbm>>
      tpu.wait_dma2 semaphore(%arg7 : memref<!tpu.dma_semaphore, #tpu.memory_space<semaphore_mem>>) src(%dma_wait3A_993 : memref<64xf32, #tpu.memory_space<hbm>>) dst(%dma_wait3A_990 : memref<64xf32, #tpu.memory_space<vmem>>)
      %dma_wait3A_994 = arith.constant 64 : i32
      %dma_wait3A_995 = tpu.memref_slice %arg6[%add3A_530, %dma_wait3A_994] : memref<512x128xf32, #tpu.memory_space<vmem>> -> memref<1x64xf32, #tpu.memory_space<vmem>>
      %dma_wait3A_996 = tpu.memref_squeeze %dma_wait3A_995 : memref<1x64xf32, #tpu.memory_space<vmem>> -> memref<64xf32, #tpu.memory_space<vmem>>
      %dma_wait3A_997 = arith.constant 0 : i32
      %dma_wait3A_998 = tpu.memref_slice %arg2[%shift_right_arithmetic3A_524, %and3A_526, %dma_wait3A_997] : memref<125000x8x64xf32, #tpu.memory_space<hbm>> -> memref<1x1x64xf32, #tpu.memory_space<hbm>>
      %dma_wait3A_999 = tpu.memref_squeeze %dma_wait3A_998 : memref<1x1x64xf32, #tpu.memory_space<hbm>> -> memref<64xf32, #tpu.memory_space<hbm>>
      %dma_wait3A_1000 = arith.constant 64 : i32
      %dma_wait3A_1001 = tpu.memref_slice %arg6[%add3A_530, %dma_wait3A_1000] : memref<512x128xf32, #tpu.memory_space<vmem>> -> memref<1x64xf32, #tpu.memory_space<vmem>>
      %dma_wait3A_1002 = tpu.memref_squeeze %dma_wait3A_1001 : memref<1x64xf32, #tpu.memory_space<vmem>> -> memref<64xf32, #tpu.memory_space<vmem>>
      %dma_wait3A_1003 = arith.constant 0 : i32
      %dma_wait3A_1004 = tpu.memref_slice %arg2[%shift_right_arithmetic3A_524, %and3A_526, %dma_wait3A_1003] : memref<125000x8x64xf32, #tpu.memory_space<hbm>> -> memref<1x1x64xf32, #tpu.memory_space<hbm>>
      %dma_wait3A_1005 = tpu.memref_squeeze %dma_wait3A_1004 : memref<1x1x64xf32, #tpu.memory_space<hbm>> -> memref<64xf32, #tpu.memory_space<hbm>>
      tpu.wait_dma2 semaphore(%arg7 : memref<!tpu.dma_semaphore, #tpu.memory_space<semaphore_mem>>) src(%dma_wait3A_1005 : memref<64xf32, #tpu.memory_space<hbm>>) dst(%dma_wait3A_1002 : memref<64xf32, #tpu.memory_space<vmem>>)
      %dma_wait3A_1006 = arith.constant 0 : i32
      %dma_wait3A_1007 = tpu.memref_slice %arg6[%add3A_552, %dma_wait3A_1006] : memref<512x128xf32, #tpu.memory_space<vmem>> -> memref<1x64xf32, #tpu.memory_space<vmem>>
      %dma_wait3A_1008 = tpu.memref_squeeze %dma_wait3A_1007 : memref<1x64xf32, #tpu.memory_space<vmem>> -> memref<64xf32, #tpu.memory_space<vmem>>
      %dma_wait3A_1009 = arith.constant 0 : i32
      %dma_wait3A_1010 = tpu.memref_slice %arg2[%shift_right_arithmetic3A_546, %and3A_548, %dma_wait3A_1009] : memref<125000x8x64xf32, #tpu.memory_space<hbm>> -> memref<1x1x64xf32, #tpu.memory_space<hbm>>
      %dma_wait3A_1011 = tpu.memref_squeeze %dma_wait3A_1010 : memref<1x1x64xf32, #tpu.memory_space<hbm>> -> memref<64xf32, #tpu.memory_space<hbm>>
      %dma_wait3A_1012 = arith.constant 0 : i32
      %dma_wait3A_1013 = tpu.memref_slice %arg6[%add3A_552, %dma_wait3A_1012] : memref<512x128xf32, #tpu.memory_space<vmem>> -> memref<1x64xf32, #tpu.memory_space<vmem>>
      %dma_wait3A_1014 = tpu.memref_squeeze %dma_wait3A_1013 : memref<1x64xf32, #tpu.memory_space<vmem>> -> memref<64xf32, #tpu.memory_space<vmem>>
      %dma_wait3A_1015 = arith.constant 0 : i32
      %dma_wait3A_1016 = tpu.memref_slice %arg2[%shift_right_arithmetic3A_546, %and3A_548, %dma_wait3A_1015] : memref<125000x8x64xf32, #tpu.memory_space<hbm>> -> memref<1x1x64xf32, #tpu.memory_space<hbm>>
      %dma_wait3A_1017 = tpu.memref_squeeze %dma_wait3A_1016 : memref<1x1x64xf32, #tpu.memory_space<hbm>> -> memref<64xf32, #tpu.memory_space<hbm>>
      tpu.wait_dma2 semaphore(%arg7 : memref<!tpu.dma_semaphore, #tpu.memory_space<semaphore_mem>>) src(%dma_wait3A_1017 : memref<64xf32, #tpu.memory_space<hbm>>) dst(%dma_wait3A_1014 : memref<64xf32, #tpu.memory_space<vmem>>)
      %dma_wait3A_1018 = arith.constant 64 : i32
      %dma_wait3A_1019 = tpu.memref_slice %arg6[%add3A_574, %dma_wait3A_1018] : memref<512x128xf32, #tpu.memory_space<vmem>> -> memref<1x64xf32, #tpu.memory_space<vmem>>
      %dma_wait3A_1020 = tpu.memref_squeeze %dma_wait3A_1019 : memref<1x64xf32, #tpu.memory_space<vmem>> -> memref<64xf32, #tpu.memory_space<vmem>>
      %dma_wait3A_1021 = arith.constant 0 : i32
      %dma_wait3A_1022 = tpu.memref_slice %arg2[%shift_right_arithmetic3A_568, %and3A_570, %dma_wait3A_1021] : memref<125000x8x64xf32, #tpu.memory_space<hbm>> -> memref<1x1x64xf32, #tpu.memory_space<hbm>>
      %dma_wait3A_1023 = tpu.memref_squeeze %dma_wait3A_1022 : memref<1x1x64xf32, #tpu.memory_space<hbm>> -> memref<64xf32, #tpu.memory_space<hbm>>
      %dma_wait3A_1024 = arith.constant 64 : i32
      %dma_wait3A_1025 = tpu.memref_slice %arg6[%add3A_574, %dma_wait3A_1024] : memref<512x128xf32, #tpu.memory_space<vmem>> -> memref<1x64xf32, #tpu.memory_space<vmem>>
      %dma_wait3A_1026 = tpu.memref_squeeze %dma_wait3A_1025 : memref<1x64xf32, #tpu.memory_space<vmem>> -> memref<64xf32, #tpu.memory_space<vmem>>
      %dma_wait3A_1027 = arith.constant 0 : i32
      %dma_wait3A_1028 = tpu.memref_slice %arg2[%shift_right_arithmetic3A_568, %and3A_570, %dma_wait3A_1027] : memref<125000x8x64xf32, #tpu.memory_space<hbm>> -> memref<1x1x64xf32, #tpu.memory_space<hbm>>
      %dma_wait3A_1029 = tpu.memref_squeeze %dma_wait3A_1028 : memref<1x1x64xf32, #tpu.memory_space<hbm>> -> memref<64xf32, #tpu.memory_space<hbm>>
      tpu.wait_dma2 semaphore(%arg7 : memref<!tpu.dma_semaphore, #tpu.memory_space<semaphore_mem>>) src(%dma_wait3A_1029 : memref<64xf32, #tpu.memory_space<hbm>>) dst(%dma_wait3A_1026 : memref<64xf32, #tpu.memory_space<vmem>>)
      %dma_wait3A_1030 = arith.constant 0 : i32
      %dma_wait3A_1031 = tpu.memref_slice %arg6[%add3A_596, %dma_wait3A_1030] : memref<512x128xf32, #tpu.memory_space<vmem>> -> memref<1x64xf32, #tpu.memory_space<vmem>>
      %dma_wait3A_1032 = tpu.memref_squeeze %dma_wait3A_1031 : memref<1x64xf32, #tpu.memory_space<vmem>> -> memref<64xf32, #tpu.memory_space<vmem>>
      %dma_wait3A_1033 = arith.constant 0 : i32
      %dma_wait3A_1034 = tpu.memref_slice %arg2[%shift_right_arithmetic3A_590, %and3A_592, %dma_wait3A_1033] : memref<125000x8x64xf32, #tpu.memory_space<hbm>> -> memref<1x1x64xf32, #tpu.memory_space<hbm>>
      %dma_wait3A_1035 = tpu.memref_squeeze %dma_wait3A_1034 : memref<1x1x64xf32, #tpu.memory_space<hbm>> -> memref<64xf32, #tpu.memory_space<hbm>>
      %dma_wait3A_1036 = arith.constant 0 : i32
      %dma_wait3A_1037 = tpu.memref_slice %arg6[%add3A_596, %dma_wait3A_1036] : memref<512x128xf32, #tpu.memory_space<vmem>> -> memref<1x64xf32, #tpu.memory_space<vmem>>
      %dma_wait3A_1038 = tpu.memref_squeeze %dma_wait3A_1037 : memref<1x64xf32, #tpu.memory_space<vmem>> -> memref<64xf32, #tpu.memory_space<vmem>>
      %dma_wait3A_1039 = arith.constant 0 : i32
      %dma_wait3A_1040 = tpu.memref_slice %arg2[%shift_right_arithmetic3A_590, %and3A_592, %dma_wait3A_1039] : memref<125000x8x64xf32, #tpu.memory_space<hbm>> -> memref<1x1x64xf32, #tpu.memory_space<hbm>>
      %dma_wait3A_1041 = tpu.memref_squeeze %dma_wait3A_1040 : memref<1x1x64xf32, #tpu.memory_space<hbm>> -> memref<64xf32, #tpu.memory_space<hbm>>
      tpu.wait_dma2 semaphore(%arg7 : memref<!tpu.dma_semaphore, #tpu.memory_space<semaphore_mem>>) src(%dma_wait3A_1041 : memref<64xf32, #tpu.memory_space<hbm>>) dst(%dma_wait3A_1038 : memref<64xf32, #tpu.memory_space<vmem>>)
      %dma_wait3A_1042 = arith.constant 64 : i32
      %dma_wait3A_1043 = tpu.memref_slice %arg6[%add3A_618, %dma_wait3A_1042] : memref<512x128xf32, #tpu.memory_space<vmem>> -> memref<1x64xf32, #tpu.memory_space<vmem>>
      %dma_wait3A_1044 = tpu.memref_squeeze %dma_wait3A_1043 : memref<1x64xf32, #tpu.memory_space<vmem>> -> memref<64xf32, #tpu.memory_space<vmem>>
      %dma_wait3A_1045 = arith.constant 0 : i32
      %dma_wait3A_1046 = tpu.memref_slice %arg2[%shift_right_arithmetic3A_612, %and3A_614, %dma_wait3A_1045] : memref<125000x8x64xf32, #tpu.memory_space<hbm>> -> memref<1x1x64xf32, #tpu.memory_space<hbm>>
      %dma_wait3A_1047 = tpu.memref_squeeze %dma_wait3A_1046 : memref<1x1x64xf32, #tpu.memory_space<hbm>> -> memref<64xf32, #tpu.memory_space<hbm>>
      %dma_wait3A_1048 = arith.constant 64 : i32
      %dma_wait3A_1049 = tpu.memref_slice %arg6[%add3A_618, %dma_wait3A_1048] : memref<512x128xf32, #tpu.memory_space<vmem>> -> memref<1x64xf32, #tpu.memory_space<vmem>>
      %dma_wait3A_1050 = tpu.memref_squeeze %dma_wait3A_1049 : memref<1x64xf32, #tpu.memory_space<vmem>> -> memref<64xf32, #tpu.memory_space<vmem>>
      %dma_wait3A_1051 = arith.constant 0 : i32
      %dma_wait3A_1052 = tpu.memref_slice %arg2[%shift_right_arithmetic3A_612, %and3A_614, %dma_wait3A_1051] : memref<125000x8x64xf32, #tpu.memory_space<hbm>> -> memref<1x1x64xf32, #tpu.memory_space<hbm>>
      %dma_wait3A_1053 = tpu.memref_squeeze %dma_wait3A_1052 : memref<1x1x64xf32, #tpu.memory_space<hbm>> -> memref<64xf32, #tpu.memory_space<hbm>>
      tpu.wait_dma2 semaphore(%arg7 : memref<!tpu.dma_semaphore, #tpu.memory_space<semaphore_mem>>) src(%dma_wait3A_1053 : memref<64xf32, #tpu.memory_space<hbm>>) dst(%dma_wait3A_1050 : memref<64xf32, #tpu.memory_space<vmem>>)
      %dma_wait3A_1054 = arith.constant 0 : i32
      %dma_wait3A_1055 = tpu.memref_slice %arg6[%add3A_640, %dma_wait3A_1054] : memref<512x128xf32, #tpu.memory_space<vmem>> -> memref<1x64xf32, #tpu.memory_space<vmem>>
      %dma_wait3A_1056 = tpu.memref_squeeze %dma_wait3A_1055 : memref<1x64xf32, #tpu.memory_space<vmem>> -> memref<64xf32, #tpu.memory_space<vmem>>
      %dma_wait3A_1057 = arith.constant 0 : i32
      %dma_wait3A_1058 = tpu.memref_slice %arg2[%shift_right_arithmetic3A_634, %and3A_636, %dma_wait3A_1057] : memref<125000x8x64xf32, #tpu.memory_space<hbm>> -> memref<1x1x64xf32, #tpu.memory_space<hbm>>
      %dma_wait3A_1059 = tpu.memref_squeeze %dma_wait3A_1058 : memref<1x1x64xf32, #tpu.memory_space<hbm>> -> memref<64xf32, #tpu.memory_space<hbm>>
      %dma_wait3A_1060 = arith.constant 0 : i32
      %dma_wait3A_1061 = tpu.memref_slice %arg6[%add3A_640, %dma_wait3A_1060] : memref<512x128xf32, #tpu.memory_space<vmem>> -> memref<1x64xf32, #tpu.memory_space<vmem>>
      %dma_wait3A_1062 = tpu.memref_squeeze %dma_wait3A_1061 : memref<1x64xf32, #tpu.memory_space<vmem>> -> memref<64xf32, #tpu.memory_space<vmem>>
      %dma_wait3A_1063 = arith.constant 0 : i32
      %dma_wait3A_1064 = tpu.memref_slice %arg2[%shift_right_arithmetic3A_634, %and3A_636, %dma_wait3A_1063] : memref<125000x8x64xf32, #tpu.memory_space<hbm>> -> memref<1x1x64xf32, #tpu.memory_space<hbm>>
      %dma_wait3A_1065 = tpu.memref_squeeze %dma_wait3A_1064 : memref<1x1x64xf32, #tpu.memory_space<hbm>> -> memref<64xf32, #tpu.memory_space<hbm>>
      tpu.wait_dma2 semaphore(%arg7 : memref<!tpu.dma_semaphore, #tpu.memory_space<semaphore_mem>>) src(%dma_wait3A_1065 : memref<64xf32, #tpu.memory_space<hbm>>) dst(%dma_wait3A_1062 : memref<64xf32, #tpu.memory_space<vmem>>)
      %dma_wait3A_1066 = arith.constant 64 : i32
      %dma_wait3A_1067 = tpu.memref_slice %arg6[%add3A_662, %dma_wait3A_1066] : memref<512x128xf32, #tpu.memory_space<vmem>> -> memref<1x64xf32, #tpu.memory_space<vmem>>
      %dma_wait3A_1068 = tpu.memref_squeeze %dma_wait3A_1067 : memref<1x64xf32, #tpu.memory_space<vmem>> -> memref<64xf32, #tpu.memory_space<vmem>>
      %dma_wait3A_1069 = arith.constant 0 : i32
      %dma_wait3A_1070 = tpu.memref_slice %arg2[%shift_right_arithmetic3A_656, %and3A_658, %dma_wait3A_1069] : memref<125000x8x64xf32, #tpu.memory_space<hbm>> -> memref<1x1x64xf32, #tpu.memory_space<hbm>>
      %dma_wait3A_1071 = tpu.memref_squeeze %dma_wait3A_1070 : memref<1x1x64xf32, #tpu.memory_space<hbm>> -> memref<64xf32, #tpu.memory_space<hbm>>
      %dma_wait3A_1072 = arith.constant 64 : i32
      %dma_wait3A_1073 = tpu.memref_slice %arg6[%add3A_662, %dma_wait3A_1072] : memref<512x128xf32, #tpu.memory_space<vmem>> -> memref<1x64xf32, #tpu.memory_space<vmem>>
      %dma_wait3A_1074 = tpu.memref_squeeze %dma_wait3A_1073 : memref<1x64xf32, #tpu.memory_space<vmem>> -> memref<64xf32, #tpu.memory_space<vmem>>
      %dma_wait3A_1075 = arith.constant 0 : i32
      %dma_wait3A_1076 = tpu.memref_slice %arg2[%shift_right_arithmetic3A_656, %and3A_658, %dma_wait3A_1075] : memref<125000x8x64xf32, #tpu.memory_space<hbm>> -> memref<1x1x64xf32, #tpu.memory_space<hbm>>
      %dma_wait3A_1077 = tpu.memref_squeeze %dma_wait3A_1076 : memref<1x1x64xf32, #tpu.memory_space<hbm>> -> memref<64xf32, #tpu.memory_space<hbm>>
      tpu.wait_dma2 semaphore(%arg7 : memref<!tpu.dma_semaphore, #tpu.memory_space<semaphore_mem>>) src(%dma_wait3A_1077 : memref<64xf32, #tpu.memory_space<hbm>>) dst(%dma_wait3A_1074 : memref<64xf32, #tpu.memory_space<vmem>>)
      %dma_wait3A_1078 = arith.constant 0 : i32
      %dma_wait3A_1079 = tpu.memref_slice %arg6[%add3A_684, %dma_wait3A_1078] : memref<512x128xf32, #tpu.memory_space<vmem>> -> memref<1x64xf32, #tpu.memory_space<vmem>>
      %dma_wait3A_1080 = tpu.memref_squeeze %dma_wait3A_1079 : memref<1x64xf32, #tpu.memory_space<vmem>> -> memref<64xf32, #tpu.memory_space<vmem>>
      %dma_wait3A_1081 = arith.constant 0 : i32
      %dma_wait3A_1082 = tpu.memref_slice %arg2[%shift_right_arithmetic3A_678, %and3A_680, %dma_wait3A_1081] : memref<125000x8x64xf32, #tpu.memory_space<hbm>> -> memref<1x1x64xf32, #tpu.memory_space<hbm>>
      %dma_wait3A_1083 = tpu.memref_squeeze %dma_wait3A_1082 : memref<1x1x64xf32, #tpu.memory_space<hbm>> -> memref<64xf32, #tpu.memory_space<hbm>>
      %dma_wait3A_1084 = arith.constant 0 : i32
      %dma_wait3A_1085 = tpu.memref_slice %arg6[%add3A_684, %dma_wait3A_1084] : memref<512x128xf32, #tpu.memory_space<vmem>> -> memref<1x64xf32, #tpu.memory_space<vmem>>
      %dma_wait3A_1086 = tpu.memref_squeeze %dma_wait3A_1085 : memref<1x64xf32, #tpu.memory_space<vmem>> -> memref<64xf32, #tpu.memory_space<vmem>>
      %dma_wait3A_1087 = arith.constant 0 : i32
      %dma_wait3A_1088 = tpu.memref_slice %arg2[%shift_right_arithmetic3A_678, %and3A_680, %dma_wait3A_1087] : memref<125000x8x64xf32, #tpu.memory_space<hbm>> -> memref<1x1x64xf32, #tpu.memory_space<hbm>>
      %dma_wait3A_1089 = tpu.memref_squeeze %dma_wait3A_1088 : memref<1x1x64xf32, #tpu.memory_space<hbm>> -> memref<64xf32, #tpu.memory_space<hbm>>
      tpu.wait_dma2 semaphore(%arg7 : memref<!tpu.dma_semaphore, #tpu.memory_space<semaphore_mem>>) src(%dma_wait3A_1089 : memref<64xf32, #tpu.memory_space<hbm>>) dst(%dma_wait3A_1086 : memref<64xf32, #tpu.memory_space<vmem>>)
      %dma_wait3A_1090 = arith.constant 64 : i32
      %dma_wait3A_1091 = tpu.memref_slice %arg6[%add3A_706, %dma_wait3A_1090] : memref<512x128xf32, #tpu.memory_space<vmem>> -> memref<1x64xf32, #tpu.memory_space<vmem>>
      %dma_wait3A_1092 = tpu.memref_squeeze %dma_wait3A_1091 : memref<1x64xf32, #tpu.memory_space<vmem>> -> memref<64xf32, #tpu.memory_space<vmem>>
      %dma_wait3A_1093 = arith.constant 0 : i32
      %dma_wait3A_1094 = tpu.memref_slice %arg2[%shift_right_arithmetic3A_700, %and3A_702, %dma_wait3A_1093] : memref<125000x8x64xf32, #tpu.memory_space<hbm>> -> memref<1x1x64xf32, #tpu.memory_space<hbm>>
      %dma_wait3A_1095 = tpu.memref_squeeze %dma_wait3A_1094 : memref<1x1x64xf32, #tpu.memory_space<hbm>> -> memref<64xf32, #tpu.memory_space<hbm>>
      %dma_wait3A_1096 = arith.constant 64 : i32
      %dma_wait3A_1097 = tpu.memref_slice %arg6[%add3A_706, %dma_wait3A_1096] : memref<512x128xf32, #tpu.memory_space<vmem>> -> memref<1x64xf32, #tpu.memory_space<vmem>>
      %dma_wait3A_1098 = tpu.memref_squeeze %dma_wait3A_1097 : memref<1x64xf32, #tpu.memory_space<vmem>> -> memref<64xf32, #tpu.memory_space<vmem>>
      %dma_wait3A_1099 = arith.constant 0 : i32
      %dma_wait3A_1100 = tpu.memref_slice %arg2[%shift_right_arithmetic3A_700, %and3A_702, %dma_wait3A_1099] : memref<125000x8x64xf32, #tpu.memory_space<hbm>> -> memref<1x1x64xf32, #tpu.memory_space<hbm>>
      %dma_wait3A_1101 = tpu.memref_squeeze %dma_wait3A_1100 : memref<1x1x64xf32, #tpu.memory_space<hbm>> -> memref<64xf32, #tpu.memory_space<hbm>>
      tpu.wait_dma2 semaphore(%arg7 : memref<!tpu.dma_semaphore, #tpu.memory_space<semaphore_mem>>) src(%dma_wait3A_1101 : memref<64xf32, #tpu.memory_space<hbm>>) dst(%dma_wait3A_1098 : memref<64xf32, #tpu.memory_space<vmem>>)
    }
    %scan3A_7 = arith.constant 32 : i32
    "tpu.region"() ({
      %run_scoped3A = tpu.sem_alloc : memref<!tpu.dma_semaphore, #tpu.memory_space<semaphore_mem>>
      %dma_start3A = arith.constant 0 : i32
      %dma_start3A_8 = tpu.memref_slice %arg4[%mul3A_2, %dma_start3A] : memref<16384x128xf32, #tpu.memory_space<hbm>> -> memref<512x128xf32, #tpu.memory_space<hbm>>
      %dma_start3A_9 = arith.constant 0 : i32
      %dma_start3A_10 = tpu.memref_slice %arg4[%mul3A_2, %dma_start3A_9] : memref<16384x128xf32, #tpu.memory_space<hbm>> -> memref<512x128xf32, #tpu.memory_space<hbm>>
      tpu.enqueue_dma source(%arg6 : memref<512x128xf32, #tpu.memory_space<vmem>>) target(%dma_start3A_10 : memref<512x128xf32, #tpu.memory_space<hbm>>) target_semaphore(%run_scoped3A : memref<!tpu.dma_semaphore, #tpu.memory_space<semaphore_mem>>)
      %dma_wait3A = arith.constant 0 : i32
      %dma_wait3A_11 = tpu.memref_slice %arg4[%mul3A_2, %dma_wait3A] : memref<16384x128xf32, #tpu.memory_space<hbm>> -> memref<512x128xf32, #tpu.memory_space<hbm>>
      %dma_wait3A_12 = arith.constant 0 : i32
      %dma_wait3A_13 = tpu.memref_slice %arg4[%mul3A_2, %dma_wait3A_12] : memref<16384x128xf32, #tpu.memory_space<hbm>> -> memref<512x128xf32, #tpu.memory_space<hbm>>
      tpu.wait_dma2 semaphore(%run_scoped3A : memref<!tpu.dma_semaphore, #tpu.memory_space<semaphore_mem>>) src(%arg6 : memref<512x128xf32, #tpu.memory_space<vmem>>) dst(%dma_wait3A_13 : memref<512x128xf32, #tpu.memory_space<hbm>>)
      tpu.yield
    }) : () -> ()
    return
  }
}

module attributes {stable_mosaic.version = 14 : i64} {
  func.func @_mlp_body(%arg0: i32, %arg1: memref<1024x128xf32, #tpu.memory_space<vmem>>, %arg2: memref<128x256xf32, #tpu.memory_space<vmem>>, %arg3: memref<256xf32, #tpu.memory_space<vmem>>, %arg4: memref<1x256xf32, #tpu.memory_space<vmem>>, %arg5: memref<1xf32, #tpu.memory_space<smem>>, %arg6: memref<1024xf32, #tpu.memory_space<vmem>>) attributes {dimension_semantics = [#tpu.dimension_semantics<arbitrary>], iteration_bounds = array<i64: 16>, scalar_prefetch = 0 : i64, scratch_operands = 0 : i64, tpu.core_type = #tpu.core_type<tc>, window_params = [{transform_indices = @transform_0, window_bounds = array<i64: 1024, 128>}, {pipeline_mode = #tpu.pipeline_mode<synchronous>, transform_indices = @transform_1, window_bounds = array<i64: 128, 256>}, {pipeline_mode = #tpu.pipeline_mode<synchronous>, transform_indices = @transform_2, window_bounds = array<i64: 256>}, {pipeline_mode = #tpu.pipeline_mode<synchronous>, transform_indices = @transform_3, window_bounds = array<i64: 1, 256>}, {transform_indices = @transform_4, window_bounds = array<i64: 1>}, {transform_indices = @transform_5, window_bounds = array<i64: 1024>}]} {
    %get3A = arith.constant 0 : index
    %get3A_0 = arith.constant 0 : index
    %get3A_1 = vector.load %arg1[%get3A, %get3A_0] : memref<1024x128xf32, #tpu.memory_space<vmem>>, vector<1024x128xf32>
    %convert_element_type3A = arith.truncf %get3A_1 : vector<1024x128xf32> to vector<1024x128xbf16>
    %get3A_2 = arith.constant 0 : index
    %get3A_3 = arith.constant 0 : index
    %get3A_4 = vector.load %arg2[%get3A_2, %get3A_3] : memref<128x256xf32, #tpu.memory_space<vmem>>, vector<128x256xf32>
    %convert_element_type3A_5 = arith.truncf %get3A_4 : vector<128x256xf32> to vector<128x256xbf16>
    %dot_general3A = arith.constant dense<0.000000e+00> : vector<1024x256xf32>
    %dot_general3A_6 = tpu.matmul %convert_element_type3A, %convert_element_type3A_5, %dot_general3A {dimension_numbers = #tpu.dot_dimension_numbers<[1], [0], [0], [1], [0, 0, 1, 1], [], []>, transpose_lhs_hint = false} : vector<1024x128xbf16>, vector<128x256xbf16>, vector<1024x256xf32> -> vector<1024x256xf32>
    %get3A_7 = arith.constant 0 : index
    %get3A_8 = vector.load %arg3[%get3A_7] : memref<256xf32, #tpu.memory_space<vmem>>, vector<256xf32>
    %broadcast_in_dim3A = vector.shape_cast %get3A_8 : vector<256xf32> to vector<1x256xf32>
    %add3A = vector.broadcast %broadcast_in_dim3A : vector<1x256xf32> to vector<1024x256xf32>
    %add3A_9 = arith.addf %dot_general3A_6, %add3A : vector<1024x256xf32>
    %max3A = arith.constant 0.000000e+00 : f32
    %max3A_10 = vector.broadcast %max3A : f32 to vector<1024x256xf32>
    %max3A_11 = arith.maximumf %add3A_9, %max3A_10 : vector<1024x256xf32>
    %get3A_12 = arith.constant 0 : index
    %get3A_13 = arith.constant 0 : index
    %get3A_14 = vector.load %arg4[%get3A_12, %get3A_13] : memref<1x256xf32, #tpu.memory_space<vmem>>, vector<1x256xf32>
    %mul3A = vector.broadcast %get3A_14 : vector<1x256xf32> to vector<1024x256xf32>
    %mul3A_15 = arith.mulf %max3A_11, %mul3A : vector<1024x256xf32>
    %reduce_sum3A = arith.constant dense<0.000000e+00> : vector<1024xf32>
    %reduce_sum3A_16 = vector.multi_reduction <add>, %mul3A_15, %reduce_sum3A [1] : vector<1024x256xf32> to vector<1024xf32>
    %get3A_17 = arith.constant 0 : index
    %get3A_18 = memref.load %arg5[%get3A_17] : memref<1xf32, #tpu.memory_space<smem>>
    %add3A_19 = vector.broadcast %get3A_18 : f32 to vector<1024xf32>
    %add3A_20 = arith.addf %reduce_sum3A_16, %add3A_19 : vector<1024xf32>
    %logistic3A = arith.negf %add3A_20 : vector<1024xf32>
    %logistic3A_21 = math.exp %logistic3A : vector<1024xf32>
    %logistic3A_22 = arith.constant 1.000000e+00 : f32
    %logistic3A_23 = vector.broadcast %logistic3A_22 : f32 to vector<1024xf32>
    %logistic3A_24 = arith.addf %logistic3A_23, %logistic3A_21 : vector<1024xf32>
    %logistic3A_25 = arith.divf %logistic3A_23, %logistic3A_24 : vector<1024xf32>
    %swap3A = arith.constant 0 : index
    %swap3A_26 = vector.load %arg6[%swap3A] : memref<1024xf32, #tpu.memory_space<vmem>>, vector<1024xf32>
    tpu.vector_store %arg6[%swap3A], %logistic3A_25 {strides = array<i32>} : memref<1024xf32, #tpu.memory_space<vmem>>, vector<1024xf32>,
    return
  }
  func.func @transform_0(%arg0: i32) -> (i32, i32) {
    %c0_i32 = arith.constant 0 : i32
    %c0_i32_0 = arith.constant 0 : i32
    return %arg0, %c0_i32 : i32, i32
  }
  func.func @transform_1(%arg0: i32) -> (i32, i32) {
    %c0_i32 = arith.constant 0 : i32
    %c0_i32_0 = arith.constant 0 : i32
    %c0_i32_1 = arith.constant 0 : i32
    return %c0_i32, %c0_i32_0 : i32, i32
  }
  func.func @transform_2(%arg0: i32) -> i32 {
    %c0_i32 = arith.constant 0 : i32
    %c0_i32_0 = arith.constant 0 : i32
    return %c0_i32 : i32
  }
  func.func @transform_3(%arg0: i32) -> (i32, i32) {
    %c0_i32 = arith.constant 0 : i32
    %c0_i32_0 = arith.constant 0 : i32
    %c0_i32_1 = arith.constant 0 : i32
    return %c0_i32, %c0_i32_0 : i32, i32
  }
  func.func @transform_4(%arg0: i32) -> i32 {
    %c0_i32 = arith.constant 0 : i32
    %c0_i32_0 = arith.constant 0 : i32
    return %c0_i32 : i32
  }
  func.func @transform_5(%arg0: i32) -> i32 {
    %c0_i32 = arith.constant 0 : i32
    return %arg0 : i32
  }
}

</mosaic_0001>

<sc_bundles>
// kernel: kernel.4.cloned.1.call-start
scs
__scs_entry_jumppad:
0x0: {  	(pc) =	sbr.rel $0x88, $3  }
0x1: {  	(tag) =	ssettag $0x0;
	lr =	simm.s32 $0x1  }
0x2: {  	[smem:$0x3F9B] =	sst lr;
	_ =	strace $0xD0000000  }
0x3: {  	_ = 	snop  }
0x4: {  	_ = 	snop  }
0x5: {  	_ = 	snop  }
0x6: {  	_ = 	snop  }
0x7: {  	_ = 	snop  }
__scs_overlays_trampoline_lowered:
0x8: {  	[smem:$0x3FAA] =	sst s0  }
0x9: {  	[smem:$0x3FAB] =	sst s1  }
0xa: {  	[smem:$0x3FAC] =	sst s2  }
0xb: {  	[smem:$0x3FAD] =	sst s3  }
0xc: {  	[smem:$0x3FAE] =	sst s4  }
0xd: {  	[smem:$0x3FAF] =	sst s5  }
0xe: {  	[smem:$0x3FB0] =	sst s6  }
0xf: {  	[smem:$0x3FB1] =	sst s7  }
0x10: {  	[smem:$0x3FB2] =	sst s8  }
0x11: {  	[smem:$0x3FB3] =	sst s9;
	s0 =	simm.s32 @!p0 $0x0  }
0x12: {  	s1 =	sld [smem:$0x3F99];
	s0 =	simm.s32 @p0 $0x1  }
0x13: {  	[smem:$0x3FB4] =	sst s0;
	s0 =	simm.s32 @!p1 $0x0  }
0x14: {  	s2 =	sld [smem:$0x3F98];
	s0 =	simm.s32 @p1 $0x1  }
0x15: {  	[smem:$0x3FB5] =	sst s0;
	s0 =	simm.s32 @!p2 $0x0  }
0x16: {  	s3 =	sld [smem:$0x3FDB];
	s0 =	simm.s32 @p2 $0x1  }
0x17: {  	s4 =	simm.s32 $0x1BF5;
	[smem:$0x3FB7] =	sst s0  }
0x18: {  	s0 =	sld [smem:$0x3F9A];
	_ =	swait.ge [sflag:s4], $0x0  }
0x19: {  	s7 =	sld [smem:$0x3F9B]  }
0x1a: {  	s8 =	sadd.s32 $0xFFFFE003, lr  }
0x1b: {  	s9 =	sadd.s32 $0xFFFFFEF7, lr;
	s5 =	simm.s32 $0xFFFFFFFF;
	p2 =	slt.u32 s8, $0xFFFFF086  }
0x1c: {  	p1 =	slt.u32 s9, $0xF7A;
	s5 =	simm.s32 @!p2 $0x0  }
0x1d: {  	s5 =	simm.s32 @p1 $0x1;
	p0 =	seq.s32 s7, s2  }
0x1e: {  	s7 =	smul.u32 @!p0 $0xF7A, s2;
	p2 =	seq.s32 @!p0 s5, $0x0  }
0x1f: {  	s9 =	smul.u32 $0xF7A, s1;
	s8 =	simm.s32 @!p0 $0x1BF5;
	p2 =	por !p2, p0  }
0x20: {  	[sflag:s8] =	ssyncset.s32 @!p0 $0xFFFFF086;
	s6 =	sadd.s32 @!p0 s3, s7;
	s7 =	simm.s32 @!p0 $0x108  }
0x21: {  	s3 =	sadd.s32 s3, s9;
	s6 =	sadd.s32 @!p0 $0x88, s6;
	s7 =	simm.s32 @p2 $0x1082  }
0x22: {  	[simem:s7], [sflag:s8] =	dma.local @!p0 [hbm:s6], $0xF7A  }
0x23: {  	s9 =	sor.u32 $0xD0000000, s2;
	s6 =	simm.s32 $0x108;
	_ =	swait.ge @!p0 [sflag:s8], $0x0  }
0x24: {  	s3 =	sadd.s32 $0x88, s3;
	s6 =	simm.s32 @!p1 $0x1082;
	[sflag:s4] =	ssyncset.s32 $0xFFFFF086  }
0x25: {  	[simem:s6], [sflag:s4] =	dma.local [hbm:s3], $0xF7A  }
0x26: {  	[smem:$0x3F9B] =	sst s1;
	(tag) =	ssettag s2;
	_ =	strace s9  }
0x27: {  	s1 =	sld [smem:$0x3FAB]  }
0x28: {  	s2 =	sld [smem:$0x3FAC]  }
0x29: {  	s4 =	sld [smem:$0x3FAE]  }
0x2a: {  	p0 =	seq.s32 s5, $0x0;
	s5 =	sld [smem:$0x3FAF]  }
0x2b: {  	s6 =	sld [smem:$0x3FB0]  }
0x2c: {  	s7 =	sld [smem:$0x3FB1]  }
0x2d: {  	s3 =	simm.s32 $0x108;
	s8 =	sld [smem:$0x3FB2]  }
0x2e: {  	s3 =	simm.s32 @!p0 $0x1082;
	s9 =	sld [smem:$0x3FB3]  }
0x2f: {  	lr =	sadd.s32 s0, s3;
	s0 =	sld [smem:$0x3FAA]  }
0x30: {  	s3 =	sld [smem:$0x3FAD]  }
0x31: {  	[smem:$0x3FB6] =	sst s10  }
0x32: {  	s10 =	sld [smem:$0x3FB4];
	_ =	sdelay $0x3  }
0x33: {  	p0 =	seq.s32 s10, $0x1;
	s10 =	sld [smem:$0x3FB6];
	_ =	sdelay $0x3  }
0x34: {  	[smem:$0x3FB6] =	sst s10  }
0x35: {  	s10 =	sld [smem:$0x3FB5];
	_ =	sdelay $0x3  }
0x36: {  	p1 =	seq.s32 s10, $0x1;
	s10 =	sld [smem:$0x3FB6];
	_ =	sdelay $0x3  }
0x37: {  	[smem:$0x3FB6] =	sst s10  }
0x38: {  	s10 =	sld [smem:$0x3FB7]  }
0x39: {  	_ = 	snop;
	(pc) =	sbr.ind lr, $3  }
0x3a: {  	_ = 	snop  }
0x3b: {  	_ = 	snop  }
0x3c: {  	p2 =	seq.s32 s10, $0x1;
	s10 =	sld [smem:$0x3FB6]  }
0x3d: {  	_ =	shalt  }
0x3e: {  	_ =	shalt  }
0x3f: {  	_ =	shalt  }
0x40: {  	_ =	shalt  }
0x41: {  	_ =	shalt  }
0x42: {  	_ =	shalt  }
0x43: {  	_ =	shalt  }
0x44: {  	_ =	shalt  }
0x45: {  	_ =	shalt  }
0x46: {  	_ =	shalt  }
0x47: {  	_ =	shalt  }
0x48: {  	_ =	shalt  }
0x49: {  	_ =	shalt  }
0x4a: {  	_ =	shalt  }
0x4b: {  	_ =	shalt  }
0x4c: {  	_ =	shalt  }
0x4d: {  	_ =	shalt  }
0x4e: {  	_ =	shalt  }
0x4f: {  	_ =	shalt  }
0x50: {  	_ =	shalt  }
0x51: {  	_ =	shalt  }
0x52: {  	_ =	shalt  }
0x53: {  	_ =	shalt  }
0x54: {  	_ =	shalt  }
0x55: {  	_ =	shalt  }
0x56: {  	_ =	shalt  }
0x57: {  	_ =	shalt  }
0x58: {  	_ =	shalt  }
0x59: {  	_ =	shalt  }
0x5a: {  	_ =	shalt  }
0x5b: {  	_ =	shalt  }
0x5c: {  	_ =	shalt  }
0x5d: {  	_ =	shalt  }
0x5e: {  	_ =	shalt  }
0x5f: {  	_ =	shalt  }
0x60: {  	_ =	shalt  }
0x61: {  	_ =	shalt  }
0x62: {  	_ =	shalt  }
0x63: {  	_ =	shalt  }
0x64: {  	_ =	shalt  }
0x65: {  	_ =	shalt  }
0x66: {  	_ =	shalt  }
0x67: {  	_ =	shalt  }
0x68: {  	_ =	shalt  }
0x69: {  	_ =	shalt  }
0x6a: {  	_ =	shalt  }
0x6b: {  	_ =	shalt  }
0x6c: {  	_ =	shalt  }
0x6d: {  	_ =	shalt  }
0x6e: {  	_ =	shalt  }
0x6f: {  	_ =	shalt  }
0x70: {  	_ =	shalt  }
0x71: {  	_ =	shalt  }
0x72: {  	_ =	shalt  }
0x73: {  	_ =	shalt  }
0x74: {  	_ =	shalt  }
0x75: {  	_ =	shalt  }
0x76: {  	_ =	shalt  }
0x77: {  	_ =	shalt  }
0x78: {  	_ =	shalt  }
0x79: {  	_ =	shalt  }
0x7a: {  	_ =	shalt  }
0x7b: {  	_ =	shalt  }
0x7c: {  	_ =	shalt  }
0x7d: {  	_ =	shalt  }
0x7e: {  	_ =	shalt  }
0x7f: {  	_ =	shalt  }
0x80: {  	_ =	shalt  }
0x81: {  	_ =	shalt  }
0x82: {  	_ =	shalt  }
0x83: {  	_ =	shalt  }
0x84: {  	_ =	shalt  }
0x85: {  	_ =	shalt  }
0x86: {  	_ =	shalt  }
0x87: {  	_ =	shalt  }
.Lfunc_end0:
.L_simem_size_0:
called_computation_lowered:
.L_overlay_start_0:
0x88: {  	s2 =	sld [smem:$0x3FD9]  }
0x89: {  	s3 =	sld [smem:$0x3FFE];
	_ =	sdelay $0x1  }
0x8a: {  	s1 =	srdreg.scid  }
0x8b: {  	s0 =	sand.u32 $0x1, s1  }
0x8c: {  	s16 =	sshll.u32 s0, $0xA;
	s2 =	sadd.s32 s3, s2  }
0x8d: {  	s2 =	sadd.s32 s2, s16  }
0x8e: {  	[smem:$0x3FC2] =	sst s2  }
0x8f: {  	_ = 	snop  }
0x90: {  	(tm) =	ssettm $0x1  }
0x91: {  	s17 =	sld [smem:$0x3FFB];
	_ =	sdelay $0x3  }
0x92: {  	_ =	strace s17  }
0x93: {  	s2 =	sld [smem:$0x3FFC];
	_ =	sdelay $0x3  }
0x94: {  	_ =	strace s2  }
0x95: {  	s2 =	sld [smem:$0x3FFD];
	_ =	sdelay $0x3  }
0x96: {  	_ =	strace s2  }
0x97: {  	_ =	strace $0x8FFFFFFF  }
0x98: {  	s18 =	sld [smem:$0x3FDB];
	_ =	sdelay $0x1  }
0x99: {  	s19 =	simm.s32 $_scs_section_size  }
0x9a: {  	s4 =	simm.s32 $_size__tile_overlayer_lowered;
	s5 =	simm.s32 $_tile_overlayer_lowered  }
0x9b: {  	s22 =	simm.s32 $0x1BFF;
	s21 =	sshll.u32 s5, $0x1;
	s2 =	sadd.s32 s19, s18  }
0x9c: {  	s6 =	simm.s32 $0x0;
	s20 =	sshll.u32 s4, $0x1;
	s4 =	sadd.s32 s21, s2  }
0x9d: {  	[timem:s6], [sflag:s22] =	dma.local [hbm:s4], s20  }
0x9e: {  	_ =	swait.ge [sflag:s22], s20  }
0x9f: {  	s3 =	ssub.s32 $0x0, s20;
	[sflag:s22] =	ssyncset.done $0x0  }
0xa0: {  	[sflag:s22] =	ssyncadd.s32 s3;
	_ =	sdelay $0x1  }
0xa1: {  	s23 =	simm.s32 $0x1B8B  }
0xa2: {  	_ =	swait.ge [sflag:s23], $0x1  }
0xa3: {  	[sflag:s23] =	ssyncset.done $0x0  }
0xa4: {  	s25 =	simm.s32 $0x1B8E;
	s24 =	sld [smem:$0x3FFE];
	[sflag:s23] =	ssyncadd.s32 $0xFFFFFFFF  }
0xa5: {  	s26 =	simm.s32 $execute0_lowered;
	[smem:$0x3FD2] =	sst s25  }
0xa6: {  	s4 =	sshll.u32 s26, $0x1;
	_ =	strace $0x80000046;
	[dreg:$0x1] =	wrdreg $0xFFFFFFFF  }
0xa7: {  	s28 =	simm.s32 $_size_execute0_lowered;
	s2 =	sadd.s32 s2, s4;
	[dreg:$0x0] =	wrdreg $0x0  }
0xa8: {  	s4 =	sshll.u32 s28, $0x1;
	[dreg:$0x2] =	wrdreg s2  }
0xa9: {  	[dreg:$0x3] =	wrdreg s4  }
0xaa: {  	[dreg:$0x4] =	wrdreg $0xC0  }
0xab: {  	_ =	task [dreg:s6], $0x5FFFF  }
0xac: {  	[dreg:$0x1] =	wrdreg $0xFFFFFFFF  }
0xad: {  	[dreg:$0x0] =	wrdreg $0x60  }
0xae: {  	[dreg:$0x2] =	wrdreg s24  }
0xaf: {  	[dreg:$0x3] =	wrdreg $0x9  }
0xb0: {  	_ =	task.clear_ibuf [dreg:s6], $0x4FFFF;
	_ =	strace $0x90000046  }
0xb1: {  	s29 =	simm.s32 $0x9;
	_ =	strace $0x80000048  }
0xb2: {  	_ =	swait.ge [sflag:s29], $0x1  }
0xb3: {  	[sflag:s29] =	ssyncadd.s32 $0xFFFFFFFF  }
0xb4: {  	_ =	strace $0x90000048  }
0xb5: {  	_ =	sfence  }
0xb6: {  	s30 =	sld [smem:$0x0];
	_ =	sdelay $0x2  }
0xb7: {  	s31 =	sshll.u32 s1, $0xD;
	s1 =	sshrl.u32 s1, $0x2  }
0xb8: {  	s3 =	sand.u32 $0x4000, s31;
	s1 =	sadd.s32 s1, s30  }
0xb9: {  	s0 =	sor.u32 s3, s0;
	s1 =	sshll.u32 s1, $0x11  }
0xba: {  	s0 =	sor.u32 s1, s0  }
0xbb: {  	s0 =	sadd.s32 $0x8F2B, s0  }
0xbc: {  	[sflag:s0] =	ssyncadd.remote.s32 $0x1  }
0xbd: {  	_ =	sfence.sel $0xFFFF  }
0xbe: {  	[dreg:$0x0] =	wrdreg $0xFFFFFFFF;
	(pc) =	sbr.abs _section_cstart, $3  }
0xbf: {  	[dreg:$0x1] =	wrdreg $0xFFFFFFFF  }
0xc0: {  	_ =	task.clear_ibuf [dreg:s6], $0x2FFFF;
	_ =	strace $0x9FFFFFFF  }
0xc1: {  	(tm) =	ssettm $0x7FFFFFFF  }
tec
execute0_lowered:
.L_overlay_start_1:
0x0: {  	(tag) =	ssettag $0x1  }
0x1: {  	s4 =	rddreg [dreg:$0x0]  }
0x2: {  	s0 =	rddreg [dreg:$0x1];
	s2 =	simm.s32 $0x0  }
0x3: {  	s1 =	stileid.u32;
	s3 =	srdreg.scid;
	s9 =	simm.s32 $0x2  }
0x4: {  	s10 =	simm.s32 $0x1;
	s11 =	simm.s32 $0x0;
	[smem:$0x7FF] =	sst s2  }
0x5: {  	s5 =	sshll.u32 s1, $0x8;
	s6 =	sand.u32 $0x1, s3;
	s30 =	sshll.u32 s1, $0x1  }
0x6: {  	s3 =	sadd.s32 $0xE00, s4;
	_ =	strace $0x80000047;
	s5 =	sand.u32 $0xC00, s5  }
0x7: {  	s7 =	sor.u32 s6, s30;
	s6 =	ssub.s32 $0x2, s6;
	s5 =	sadd.s32 s5, s4  }
0x8: {  	s8 =	sshll.u32 s7, $0x4;
	s7 =	sshll.u32 s7, $0xD;
	s31 =	sshrl.u32 s6, $0x1  }
0x9: {  	s8 =	sand.u32 $0x70, s8;
	s7 =	sadd.s32 s7, s4;
	s6 =	ssub.s32 s6, s31  }
0xa: {  	s5 =	sadd.s32 s8, s5;
	s6 =	smax.u32 s6, $0x1;
	s8 =	simm.s32 $0x400  }
0xb: {  	s4 =	sadd.s32 $0xF43200, s5;
	s5 =	sadd.s32 $0xF44200, s7;
	s7 =	simm.s32 $0x80  }
.LBB2_1:
0xc: {  	[tilespmem:s2], [sflag:$0x2] =	stream.strided.gather [hbm4b:s4+s7], $0x400, s8, s7, $0x38;
	[tilespmem:$0x10400] =	vst v63  }
0xd: {  	_ =	swait.ge [sflag:s9], $0x400  }
0xe: {  	[sflag:s9] =	ssyncset.done $0x0  }
0xf: {  	s12 =	simm.s32 $0x10;
	[sflag:s9] =	ssyncadd.s32 $0xFFFFFC00  }
0x10: {  	v0 =	vld [tilespmem:s12+$0xFFFFFFF0];
	_ =	sdelay $0x4  }
0x11: {  	v0 =	vshll.u32 v0, $0x4  }
0x12: {  	(v2sf) =	vpush v0, $0x0;
	_ =	sdelay $0x1  }
0x13: {  	(v2sf) =	vpush v0, $0x1;
	_ =	sdelay $0x3  }
0x14: {  	(v2sf) =	vpush v0, $0x2;
	_ =	sdelay $0x3  }
0x15: {  	(v2sf) =	vpush v0, $0x3;
	_ =	sdelay $0x3  }
0x16: {  	(v2sf) =	vpush v0, $0x4  }
0x17: {  	s13 =	spop (v2sf)  }
0x18: {  	s13 =	sand.u32 $0x1FFFFFF0, s13  }
0x19: {  	s14 =	simm.s32 $0x400;
	s15 =	spop (v2sf);
	s13 =	sadd.s32 s3, s13  }
0x1a: {  	(v2sf) =	vpush v0, $0x5;
	[tilespmem:s14], [sflag:$0x1] =	stream.strided.gather [hbm4b:s13+s7], $0x0, s8, s7, $0x38;
	[tilespmem:$0x10400] =	vst v63  }
0x1b: {  	s15 =	sand.u32 $0x1FFFFFF0, s15  }
0x1c: {  	[tilespmem:s14], [sflag:$0x1] =	stream.linear.gather [hbm4b:s13+s2], $0x40, $0x38;
	[tilespmem:$0x10400] =	vst v63  }
0x1d: {  	s31 =	simm.s32 $0x440;
	s16 =	spop (v2sf);
	s15 =	sadd.s32 s3, s15  }
0x1e: {  	(v2sf) =	vpush v0, $0x6;
	[tilespmem:s31], [sflag:$0x1] =	stream.strided.gather [hbm4b:s15+s7], $0x0, s8, s7, $0x38;
	[tilespmem:$0x10400] =	vst v63  }
0x1f: {  	s14 =	sand.u32 $0x1FFFFFF0, s16  }
0x20: {  	[tilespmem:s31], [sflag:$0x1] =	stream.linear.gather [hbm4b:s15+s2], $0x40, $0x38;
	[tilespmem:$0x10400] =	vst v63  }
0x21: {  	s18 =	simm.s32 $0x480;
	s17 =	spop (v2sf);
	s14 =	sadd.s32 s3, s14  }
0x22: {  	(v2sf) =	vpush v0, $0x7;
	[tilespmem:s18], [sflag:$0x1] =	stream.strided.gather [hbm4b:s14+s7], $0x0, s8, s7, $0x38;
	[tilespmem:$0x10400] =	vst v63  }
0x23: {  	s13 =	sand.u32 $0x1FFFFFF0, s17  }
0x24: {  	[tilespmem:s18], [sflag:$0x1] =	stream.linear.gather [hbm4b:s14+s2], $0x40, $0x38;
	[tilespmem:$0x10400] =	vst v63  }
0x25: {  	s20 =	simm.s32 $0x4C0;
	s19 =	spop (v2sf);
	s13 =	sadd.s32 s3, s13  }
0x26: {  	(v2sf) =	vpush v0, $0x8;
	[tilespmem:s20], [sflag:$0x1] =	stream.strided.gather [hbm4b:s13+s7], $0x0, s8, s7, $0x38;
	[tilespmem:$0x10400] =	vst v63  }
0x27: {  	s14 =	sand.u32 $0x1FFFFFF0, s19  }
0x28: {  	[tilespmem:s20], [sflag:$0x1] =	stream.linear.gather [hbm4b:s13+s2], $0x40, $0x38;
	[tilespmem:$0x10400] =	vst v63  }
0x29: {  	s22 =	simm.s32 $0x500;
	s14 =	sadd.s32 s3, s14;
	s21 =	spop (v2sf)  }
0x2a: {  	(v2sf) =	vpush v0, $0x9;
	[tilespmem:s22], [sflag:$0x1] =	stream.strided.gather [hbm4b:s14+s7], $0x0, s8, s7, $0x38;
	[tilespmem:$0x10400] =	vst v63  }
0x2b: {  	s13 =	sand.u32 $0x1FFFFFF0, s21  }
0x2c: {  	[tilespmem:s22], [sflag:$0x1] =	stream.linear.gather [hbm4b:s14+s2], $0x40, $0x38;
	[tilespmem:$0x10400] =	vst v63  }
0x2d: {  	s24 =	simm.s32 $0x540;
	s23 =	spop (v2sf);
	s13 =	sadd.s32 s3, s13  }
0x2e: {  	(v2sf) =	vpush v0, $0xA;
	[tilespmem:s24], [sflag:$0x1] =	stream.strided.gather [hbm4b:s13+s7], $0x0, s8, s7, $0x38;
	[tilespmem:$0x10400] =	vst v63  }
0x2f: {  	s14 =	sand.u32 $0x1FFFFFF0, s23  }
0x30: {  	[tilespmem:s24], [sflag:$0x1] =	stream.linear.gather [hbm4b:s13+s2], $0x40, $0x38;
	[tilespmem:$0x10400] =	vst v63  }
0x31: {  	s26 =	simm.s32 $0x580;
	s25 =	spop (v2sf);
	s14 =	sadd.s32 s3, s14  }
0x32: {  	(v2sf) =	vpush v0, $0xB;
	[tilespmem:s26], [sflag:$0x1] =	stream.strided.gather [hbm4b:s14+s7], $0x0, s8, s7, $0x38;
	[tilespmem:$0x10400] =	vst v63  }
0x33: {  	s13 =	sand.u32 $0x1FFFFFF0, s25  }
0x34: {  	[tilespmem:s26], [sflag:$0x1] =	stream.linear.gather [hbm4b:s14+s2], $0x40, $0x38;
	[tilespmem:$0x10400] =	vst v63  }
0x35: {  	s29 =	simm.s32 $0x5C0;
	s28 =	spop (v2sf);
	s13 =	sadd.s32 s3, s13  }
0x36: {  	(v2sf) =	vpush v0, $0xC;
	[tilespmem:s29], [sflag:$0x1] =	stream.strided.gather [hbm4b:s13+s7], $0x0, s8, s7, $0x38;
	[tilespmem:$0x10400] =	vst v63  }
0x37: {  	s14 =	sand.u32 $0x1FFFFFF0, s28  }
0x38: {  	[tilespmem:s29], [sflag:$0x1] =	stream.linear.gather [hbm4b:s13+s2], $0x40, $0x38;
	[tilespmem:$0x10400] =	vst v63  }
0x39: {  	s31 =	simm.s32 $0x600;
	s30 =	spop (v2sf);
	s14 =	sadd.s32 s3, s14  }
0x3a: {  	(v2sf) =	vpush v0, $0xD;
	[tilespmem:s31], [sflag:$0x1] =	stream.strided.gather [hbm4b:s14+s7], $0x0, s8, s7, $0x38;
	[tilespmem:$0x10400] =	vst v63  }
0x3b: {  	s13 =	sand.u32 $0x1FFFFFF0, s30  }
0x3c: {  	[tilespmem:s31], [sflag:$0x1] =	stream.linear.gather [hbm4b:s14+s2], $0x40, $0x38;
	[tilespmem:$0x10400] =	vst v63  }
0x3d: {  	s17 =	simm.s32 $0x640;
	s16 =	spop (v2sf);
	s13 =	sadd.s32 s3, s13  }
0x3e: {  	(v2sf) =	vpush v0, $0xE;
	[tilespmem:s17], [sflag:$0x1] =	stream.strided.gather [hbm4b:s13+s7], $0x0, s8, s7, $0x38;
	[tilespmem:$0x10400] =	vst v63  }
0x3f: {  	s14 =	sand.u32 $0x1FFFFFF0, s16  }
0x40: {  	[tilespmem:s17], [sflag:$0x1] =	stream.linear.gather [hbm4b:s13+s2], $0x40, $0x38;
	[tilespmem:$0x10400] =	vst v63  }
0x41: {  	s19 =	simm.s32 $0x680;
	s18 =	spop (v2sf);
	s14 =	sadd.s32 s3, s14  }
0x42: {  	(v2sf) =	vpush v0, $0xF;
	[tilespmem:s19], [sflag:$0x1] =	stream.strided.gather [hbm4b:s14+s7], $0x0, s8, s7, $0x38;
	[tilespmem:$0x10400] =	vst v63  }
0x43: {  	s13 =	sand.u32 $0x1FFFFFF0, s18  }
0x44: {  	[tilespmem:s19], [sflag:$0x1] =	stream.linear.gather [hbm4b:s14+s2], $0x40, $0x38;
	[tilespmem:$0x10400] =	vst v63  }
0x45: {  	s21 =	simm.s32 $0x6C0;
	s20 =	spop (v2sf);
	s13 =	sadd.s32 s3, s13  }
0x46: {  	[tilespmem:s21], [sflag:$0x1] =	stream.strided.gather [hbm4b:s13+s7], $0x0, s8, s7, $0x38;
	[tilespmem:$0x10400] =	vst v63  }
0x47: {  	s14 =	sand.u32 $0x1FFFFFF0, s20  }
0x48: {  	[tilespmem:s21], [sflag:$0x1] =	stream.linear.gather [hbm4b:s13+s2], $0x40, $0x38;
	[tilespmem:$0x10400] =	vst v63  }
0x49: {  	s23 =	simm.s32 $0x700;
	s22 =	spop (v2sf);
	s14 =	sadd.s32 s3, s14  }
0x4a: {  	[tilespmem:s23], [sflag:$0x1] =	stream.strided.gather [hbm4b:s14+s7], $0x0, s8, s7, $0x38;
	[tilespmem:$0x10400] =	vst v63  }
0x4b: {  	s13 =	sand.u32 $0x1FFFFFF0, s22  }
0x4c: {  	[tilespmem:s23], [sflag:$0x1] =	stream.linear.gather [hbm4b:s14+s2], $0x40, $0x38;
	[tilespmem:$0x10400] =	vst v63  }
0x4d: {  	s25 =	simm.s32 $0x740;
	s24 =	spop (v2sf);
	s13 =	sadd.s32 s3, s13  }
0x4e: {  	[tilespmem:s25], [sflag:$0x1] =	stream.strided.gather [hbm4b:s13+s7], $0x0, s8, s7, $0x38;
	[tilespmem:$0x10400] =	vst v63  }
0x4f: {  	s14 =	sand.u32 $0x1FFFFFF0, s24  }
0x50: {  	[tilespmem:s25], [sflag:$0x1] =	stream.linear.gather [hbm4b:s13+s2], $0x40, $0x38;
	[tilespmem:$0x10400] =	vst v63  }
0x51: {  	s28 =	simm.s32 $0x780;
	s26 =	spop (v2sf);
	s14 =	sadd.s32 s3, s14  }
0x52: {  	[tilespmem:s28], [sflag:$0x1] =	stream.strided.gather [hbm4b:s14+s7], $0x0, s8, s7, $0x38;
	[tilespmem:$0x10400] =	vst v63  }
0x53: {  	s13 =	sand.u32 $0x1FFFFFF0, s26  }
0x54: {  	[tilespmem:s28], [sflag:$0x1] =	stream.linear.gather [hbm4b:s14+s2], $0x40, $0x38;
	[tilespmem:$0x10400] =	vst v63  }
0x55: {  	s29 =	simm.s32 $0x7C0;
	s13 =	sadd.s32 s3, s13  }
0x56: {  	[tilespmem:s29], [sflag:$0x1] =	stream.strided.gather [hbm4b:s13+s7], $0x0, s8, s7, $0x38;
	[tilespmem:$0x10400] =	vst v63  }
0x57: {  	_ = 	snop  }
0x58: {  	[tilespmem:s29], [sflag:$0x1] =	stream.linear.gather [hbm4b:s13+s2], $0x40, $0x38;
	[tilespmem:$0x10400] =	vst v63  }
0x59: {  	v63 =	vld [tilespmem:s12+$0x0];
	_ =	sdelay $0x4  }
0x5a: {  	v0 =	vshll.u32 v63, $0x4  }
0x5b: {  	(v2sf) =	vpush v0, $0x0;
	_ =	sdelay $0x1  }
0x5c: {  	(v2sf) =	vpush v0, $0x1;
	_ =	sdelay $0x3  }
0x5d: {  	(v2sf) =	vpush v0, $0x2;
	_ =	sdelay $0x3  }
0x5e: {  	(v2sf) =	vpush v0, $0x3;
	_ =	sdelay $0x3  }
0x5f: {  	(v2sf) =	vpush v0, $0x4  }
0x60: {  	s30 =	spop (v2sf)  }
0x61: {  	s13 =	sand.u32 $0x1FFFFFF0, s30  }
0x62: {  	s31 =	simm.s32 $0x800;
	s16 =	spop (v2sf);
	s13 =	sadd.s32 s3, s13  }
0x63: {  	(v2sf) =	vpush v0, $0x5;
	[tilespmem:s31], [sflag:$0x1] =	stream.strided.gather [hbm4b:s13+s7], $0x0, s8, s7, $0x38;
	[tilespmem:$0x10400] =	vst v63  }
0x64: {  	s15 =	sand.u32 $0x1FFFFFF0, s16  }
0x65: {  	[tilespmem:s31], [sflag:$0x1] =	stream.linear.gather [hbm4b:s13+s2], $0x40, $0x38;
	[tilespmem:$0x10400] =	vst v63  }
0x66: {  	s17 =	simm.s32 $0x840;
	s18 =	spop (v2sf);
	s15 =	sadd.s32 s3, s15  }
0x67: {  	(v2sf) =	vpush v0, $0x6;
	[tilespmem:s17], [sflag:$0x1] =	stream.strided.gather [hbm4b:s15+s7], $0x0, s8, s7, $0x38;
	[tilespmem:$0x10400] =	vst v63  }
0x68: {  	s14 =	sand.u32 $0x1FFFFFF0, s18  }
0x69: {  	[tilespmem:s17], [sflag:$0x1] =	stream.linear.gather [hbm4b:s15+s2], $0x40, $0x38;
	[tilespmem:$0x10400] =	vst v63  }
0x6a: {  	s20 =	simm.s32 $0x880;
	s19 =	spop (v2sf);
	s14 =	sadd.s32 s3, s14  }
0x6b: {  	(v2sf) =	vpush v0, $0x7;
	[tilespmem:s20], [sflag:$0x1] =	stream.strided.gather [hbm4b:s14+s7], $0x0, s8, s7, $0x38;
	[tilespmem:$0x10400] =	vst v63  }
0x6c: {  	s13 =	sand.u32 $0x1FFFFFF0, s19  }
0x6d: {  	[tilespmem:s20], [sflag:$0x1] =	stream.linear.gather [hbm4b:s14+s2], $0x40, $0x38;
	[tilespmem:$0x10400] =	vst v63  }
0x6e: {  	s22 =	simm.s32 $0x8C0;
	s21 =	spop (v2sf);
	s13 =	sadd.s32 s3, s13  }
0x6f: {  	(v2sf) =	vpush v0, $0x8;
	[tilespmem:s22], [sflag:$0x1] =	stream.strided.gather [hbm4b:s13+s7], $0x0, s8, s7, $0x38;
	[tilespmem:$0x10400] =	vst v63  }
0x70: {  	s14 =	sand.u32 $0x1FFFFFF0, s21  }
0x71: {  	[tilespmem:s22], [sflag:$0x1] =	stream.linear.gather [hbm4b:s13+s2], $0x40, $0x38;
	[tilespmem:$0x10400] =	vst v63  }
0x72: {  	s24 =	simm.s32 $0x900;
	s14 =	sadd.s32 s3, s14;
	s23 =	spop (v2sf)  }
0x73: {  	(v2sf) =	vpush v0, $0x9;
	[tilespmem:s24], [sflag:$0x1] =	stream.strided.gather [hbm4b:s14+s7], $0x0, s8, s7, $0x38;
	[tilespmem:$0x10400] =	vst v63  }
0x74: {  	s13 =	sand.u32 $0x1FFFFFF0, s23  }
0x75: {  	[tilespmem:s24], [sflag:$0x1] =	stream.linear.gather [hbm4b:s14+s2], $0x40, $0x38;
	[tilespmem:$0x10400] =	vst v63  }
0x76: {  	s26 =	simm.s32 $0x940;
	s25 =	spop (v2sf);
	s13 =	sadd.s32 s3, s13  }
0x77: {  	(v2sf) =	vpush v0, $0xA;
	[tilespmem:s26], [sflag:$0x1] =	stream.strided.gather [hbm4b:s13+s7], $0x0, s8, s7, $0x38;
	[tilespmem:$0x10400] =	vst v63  }
0x78: {  	s14 =	sand.u32 $0x1FFFFFF0, s25  }
0x79: {  	[tilespmem:s26], [sflag:$0x1] =	stream.linear.gather [hbm4b:s13+s2], $0x40, $0x38;
	[tilespmem:$0x10400] =	vst v63  }
0x7a: {  	s29 =	simm.s32 $0x980;
	s28 =	spop (v2sf);
	s14 =	sadd.s32 s3, s14  }
0x7b: {  	(v2sf) =	vpush v0, $0xB;
	[tilespmem:s29], [sflag:$0x1] =	stream.strided.gather [hbm4b:s14+s7], $0x0, s8, s7, $0x38;
	[tilespmem:$0x10400] =	vst v63  }
0x7c: {  	s13 =	sand.u32 $0x1FFFFFF0, s28  }
0x7d: {  	[tilespmem:s29], [sflag:$0x1] =	stream.linear.gather [hbm4b:s14+s2], $0x40, $0x38;
	[tilespmem:$0x10400] =	vst v63  }
0x7e: {  	s31 =	simm.s32 $0x9C0;
	s30 =	spop (v2sf);
	s13 =	sadd.s32 s3, s13  }
0x7f: {  	(v2sf) =	vpush v0, $0xC;
	[tilespmem:s31], [sflag:$0x1] =	stream.strided.gather [hbm4b:s13+s7], $0x0, s8, s7, $0x38;
	[tilespmem:$0x10400] =	vst v63  }
0x80: {  	s14 =	sand.u32 $0x1FFFFFF0, s30  }
0x81: {  	[tilespmem:s31], [sflag:$0x1] =	stream.linear.gather [hbm4b:s13+s2], $0x40, $0x38;
	[tilespmem:$0x10400] =	vst v63  }
0x82: {  	s17 =	simm.s32 $0xA00;
	s16 =	spop (v2sf);
	s14 =	sadd.s32 s3, s14  }
0x83: {  	(v2sf) =	vpush v0, $0xD;
	[tilespmem:s17], [sflag:$0x1] =	stream.strided.gather [hbm4b:s14+s7], $0x0, s8, s7, $0x38;
	[tilespmem:$0x10400] =	vst v63  }
0x84: {  	s13 =	sand.u32 $0x1FFFFFF0, s16  }
0x85: {  	[tilespmem:s17], [sflag:$0x1] =	stream.linear.gather [hbm4b:s14+s2], $0x40, $0x38;
	[tilespmem:$0x10400] =	vst v63  }
0x86: {  	s19 =	simm.s32 $0xA40;
	s18 =	spop (v2sf);
	s13 =	sadd.s32 s3, s13  }
0x87: {  	(v2sf) =	vpush v0, $0xE;
	[tilespmem:s19], [sflag:$0x1] =	stream.strided.gather [hbm4b:s13+s7], $0x0, s8, s7, $0x38;
	[tilespmem:$0x10400] =	vst v63  }
0x88: {  	s14 =	sand.u32 $0x1FFFFFF0, s18  }
0x89: {  	[tilespmem:s19], [sflag:$0x1] =	stream.linear.gather [hbm4b:s13+s2], $0x40, $0x38;
	[tilespmem:$0x10400] =	vst v63  }
0x8a: {  	s21 =	simm.s32 $0xA80;
	s20 =	spop (v2sf);
	s14 =	sadd.s32 s3, s14  }
0x8b: {  	(v2sf) =	vpush v0, $0xF;
	[tilespmem:s21], [sflag:$0x1] =	stream.strided.gather [hbm4b:s14+s7], $0x0, s8, s7, $0x38;
	[tilespmem:$0x10400] =	vst v63  }
0x8c: {  	s13 =	sand.u32 $0x1FFFFFF0, s20  }
0x8d: {  	[tilespmem:s21], [sflag:$0x1] =	stream.linear.gather [hbm4b:s14+s2], $0x40, $0x38;
	[tilespmem:$0x10400] =	vst v63  }
0x8e: {  	s23 =	simm.s32 $0xAC0;
	s22 =	spop (v2sf);
	s13 =	sadd.s32 s3, s13  }
0x8f: {  	[tilespmem:s23], [sflag:$0x1] =	stream.strided.gather [hbm4b:s13+s7], $0x0, s8, s7, $0x38;
	[tilespmem:$0x10400] =	vst v63  }
0x90: {  	s14 =	sand.u32 $0x1FFFFFF0, s22  }
0x91: {  	[tilespmem:s23], [sflag:$0x1] =	stream.linear.gather [hbm4b:s13+s2], $0x40, $0x38;
	[tilespmem:$0x10400] =	vst v63  }
0x92: {  	s25 =	simm.s32 $0xB00;
	s24 =	spop (v2sf);
	s14 =	sadd.s32 s3, s14  }
0x93: {  	[tilespmem:s25], [sflag:$0x1] =	stream.strided.gather [hbm4b:s14+s7], $0x0, s8, s7, $0x38;
	[tilespmem:$0x10400] =	vst v63  }
0x94: {  	s13 =	sand.u32 $0x1FFFFFF0, s24  }
0x95: {  	[tilespmem:s25], [sflag:$0x1] =	stream.linear.gather [hbm4b:s14+s2], $0x40, $0x38;
	[tilespmem:$0x10400] =	vst v63  }
0x96: {  	s28 =	simm.s32 $0xB40;
	s26 =	spop (v2sf);
	s13 =	sadd.s32 s3, s13  }
0x97: {  	[tilespmem:s28], [sflag:$0x1] =	stream.strided.gather [hbm4b:s13+s7], $0x0, s8, s7, $0x38;
	[tilespmem:$0x10400] =	vst v63  }
0x98: {  	s14 =	sand.u32 $0x1FFFFFF0, s26  }
0x99: {  	[tilespmem:s28], [sflag:$0x1] =	stream.linear.gather [hbm4b:s13+s2], $0x40, $0x38;
	[tilespmem:$0x10400] =	vst v63  }
0x9a: {  	s30 =	simm.s32 $0xB80;
	s29 =	spop (v2sf);
	s14 =	sadd.s32 s3, s14  }
0x9b: {  	[tilespmem:s30], [sflag:$0x1] =	stream.strided.gather [hbm4b:s14+s7], $0x0, s8, s7, $0x38;
	[tilespmem:$0x10400] =	vst v63  }
0x9c: {  	s13 =	sand.u32 $0x1FFFFFF0, s29  }
0x9d: {  	[tilespmem:s30], [sflag:$0x1] =	stream.linear.gather [hbm4b:s14+s2], $0x40, $0x38;
	[tilespmem:$0x10400] =	vst v63  }
0x9e: {  	s31 =	simm.s32 $0xBC0;
	s13 =	sadd.s32 s3, s13  }
0x9f: {  	[tilespmem:s31], [sflag:$0x1] =	stream.strided.gather [hbm4b:s13+s7], $0x0, s8, s7, $0x38;
	[tilespmem:$0x10400] =	vst v63  }
0xa0: {  	_ = 	snop  }
0xa1: {  	[tilespmem:s31], [sflag:$0x1] =	stream.linear.gather [hbm4b:s13+s2], $0x40, $0x38;
	[tilespmem:$0x10400] =	vst v63  }
0xa2: {  	_ =	swait.ge [sflag:s10], $0x40  }
0xa3: {  	[sflag:s10] =	ssyncset.done $0x0  }
0xa4: {  	[sflag:s10] =	ssyncadd.s32 $0xFFFFFFC0  }
0xa5: {  	_ =	swait.ge [sflag:s10], $0x40  }
0xa6: {  	[sflag:s10] =	ssyncset.done $0x0  }
0xa7: {  	[sflag:s10] =	ssyncadd.s32 $0xFFFFFFC0  }
0xa8: {  	_ =	swait.ge [sflag:s10], $0x40  }
0xa9: {  	[sflag:s10] =	ssyncset.done $0x0  }
0xaa: {  	[sflag:s10] =	ssyncadd.s32 $0xFFFFFFC0  }
0xab: {  	_ =	swait.ge [sflag:s10], $0x40  }
0xac: {  	[sflag:s10] =	ssyncset.done $0x0  }
0xad: {  	[sflag:s10] =	ssyncadd.s32 $0xFFFFFFC0  }
0xae: {  	_ =	swait.ge [sflag:s10], $0x40  }
0xaf: {  	[sflag:s10] =	ssyncset.done $0x0  }
0xb0: {  	[sflag:s10] =	ssyncadd.s32 $0xFFFFFFC0  }
0xb1: {  	_ =	swait.ge [sflag:s10], $0x40  }
0xb2: {  	[sflag:s10] =	ssyncset.done $0x0  }
0xb3: {  	[sflag:s10] =	ssyncadd.s32 $0xFFFFFFC0  }
0xb4: {  	_ =	swait.ge [sflag:s10], $0x40  }
0xb5: {  	[sflag:s10] =	ssyncset.done $0x0  }
0xb6: {  	[sflag:s10] =	ssyncadd.s32 $0xFFFFFFC0  }
0xb7: {  	_ =	swait.ge [sflag:s10], $0x40  }
0xb8: {  	[sflag:s10] =	ssyncset.done $0x0  }
0xb9: {  	[sflag:s10] =	ssyncadd.s32 $0xFFFFFFC0  }
0xba: {  	_ =	swait.ge [sflag:s10], $0x40  }
0xbb: {  	[sflag:s10] =	ssyncset.done $0x0  }
0xbc: {  	[sflag:s10] =	ssyncadd.s32 $0xFFFFFFC0  }
0xbd: {  	_ =	swait.ge [sflag:s10], $0x40  }
0xbe: {  	[sflag:s10] =	ssyncset.done $0x0  }
0xbf: {  	[sflag:s10] =	ssyncadd.s32 $0xFFFFFFC0  }
0xc0: {  	_ =	swait.ge [sflag:s10], $0x40  }
0xc1: {  	[sflag:s10] =	ssyncset.done $0x0  }
0xc2: {  	[sflag:s10] =	ssyncadd.s32 $0xFFFFFFC0  }
0xc3: {  	_ =	swait.ge [sflag:s10], $0x40  }
0xc4: {  	[sflag:s10] =	ssyncset.done $0x0  }
0xc5: {  	[sflag:s10] =	ssyncadd.s32 $0xFFFFFFC0  }
0xc6: {  	_ =	swait.ge [sflag:s10], $0x40  }
0xc7: {  	[sflag:s10] =	ssyncset.done $0x0  }
0xc8: {  	[sflag:s10] =	ssyncadd.s32 $0xFFFFFFC0  }
0xc9: {  	_ =	swait.ge [sflag:s10], $0x40  }
0xca: {  	[sflag:s10] =	ssyncset.done $0x0  }
0xcb: {  	[sflag:s10] =	ssyncadd.s32 $0xFFFFFFC0  }
0xcc: {  	_ =	swait.ge [sflag:s10], $0x40  }
0xcd: {  	[sflag:s10] =	ssyncset.done $0x0  }
0xce: {  	[sflag:s10] =	ssyncadd.s32 $0xFFFFFFC0  }
0xcf: {  	_ =	swait.ge [sflag:s10], $0x40  }
0xd0: {  	[sflag:s10] =	ssyncset.done $0x0  }
0xd1: {  	[sflag:s10] =	ssyncadd.s32 $0xFFFFFFC0  }
0xd2: {  	_ =	swait.ge [sflag:s10], $0x40  }
0xd3: {  	[sflag:s10] =	ssyncset.done $0x0  }
0xd4: {  	[sflag:s10] =	ssyncadd.s32 $0xFFFFFFC0  }
0xd5: {  	_ =	swait.ge [sflag:s10], $0x40  }
0xd6: {  	[sflag:s10] =	ssyncset.done $0x0  }
0xd7: {  	[sflag:s10] =	ssyncadd.s32 $0xFFFFFFC0  }
0xd8: {  	_ =	swait.ge [sflag:s10], $0x40  }
0xd9: {  	[sflag:s10] =	ssyncset.done $0x0  }
0xda: {  	[sflag:s10] =	ssyncadd.s32 $0xFFFFFFC0  }
0xdb: {  	_ =	swait.ge [sflag:s10], $0x40  }
0xdc: {  	[sflag:s10] =	ssyncset.done $0x0  }
0xdd: {  	[sflag:s10] =	ssyncadd.s32 $0xFFFFFFC0  }
0xde: {  	_ =	swait.ge [sflag:s10], $0x40  }
0xdf: {  	[sflag:s10] =	ssyncset.done $0x0  }
0xe0: {  	[sflag:s10] =	ssyncadd.s32 $0xFFFFFFC0  }
0xe1: {  	_ =	swait.ge [sflag:s10], $0x40  }
0xe2: {  	[sflag:s10] =	ssyncset.done $0x0  }
0xe3: {  	[sflag:s10] =	ssyncadd.s32 $0xFFFFFFC0  }
0xe4: {  	_ =	swait.ge [sflag:s10], $0x40  }
0xe5: {  	[sflag:s10] =	ssyncset.done $0x0  }
0xe6: {  	[sflag:s10] =	ssyncadd.s32 $0xFFFFFFC0  }
0xe7: {  	_ =	swait.ge [sflag:s10], $0x40  }
0xe8: {  	[sflag:s10] =	ssyncset.done $0x0  }
0xe9: {  	[sflag:s10] =	ssyncadd.s32 $0xFFFFFFC0  }
0xea: {  	_ =	swait.ge [sflag:s10], $0x40  }
0xeb: {  	[sflag:s10] =	ssyncset.done $0x0  }
0xec: {  	[sflag:s10] =	ssyncadd.s32 $0xFFFFFFC0  }
0xed: {  	_ =	swait.ge [sflag:s10], $0x40  }
0xee: {  	[sflag:s10] =	ssyncset.done $0x0  }
0xef: {  	[sflag:s10] =	ssyncadd.s32 $0xFFFFFFC0  }
0xf0: {  	_ =	swait.ge [sflag:s10], $0x40  }
0xf1: {  	[sflag:s10] =	ssyncset.done $0x0  }
0xf2: {  	[sflag:s10] =	ssyncadd.s32 $0xFFFFFFC0  }
0xf3: {  	_ =	swait.ge [sflag:s10], $0x40  }
0xf4: {  	[sflag:s10] =	ssyncset.done $0x0  }
0xf5: {  	[sflag:s10] =	ssyncadd.s32 $0xFFFFFFC0  }
0xf6: {  	_ =	swait.ge [sflag:s10], $0x40  }
0xf7: {  	[sflag:s10] =	ssyncset.done $0x0  }
0xf8: {  	[sflag:s10] =	ssyncadd.s32 $0xFFFFFFC0  }
0xf9: {  	_ =	swait.ge [sflag:s10], $0x40  }
0xfa: {  	[sflag:s10] =	ssyncset.done $0x0  }
0xfb: {  	[sflag:s10] =	ssyncadd.s32 $0xFFFFFFC0  }
0xfc: {  	_ =	swait.ge [sflag:s10], $0x40  }
0xfd: {  	[sflag:s10] =	ssyncset.done $0x0  }
0xfe: {  	s13 =	simm.s32 $0x2000;
	[sflag:s10] =	ssyncadd.s32 $0xFFFFFFC0  }
.LBB2_2:
0xff: {  	p0 =	sne.s32 s13, $0x3E000;
	_ =	swait.ge [sflag:s10], $0x40;
	s12 =	sadd.s32 $0x20, s12  }
0x100: {  	s14 =	smov.u32 s13;
	s13 =	sadd.s32 $0x2000, s13;
	[sflag:s10] =	ssyncset.done $0x0  }
0x101: {  	[sflag:s10] =	ssyncadd.s32 $0xFFFFFFC0  }
0x102: {  	v0 =	vld [tilespmem:s12+$0xFFFFFFF0];
	_ =	sdelay $0x4  }
0x103: {  	v0 =	vshll.u32 v0, $0x4  }
0x104: {  	(v2sf) =	vpush v0, $0x0  }
0x105: {  	(v2sf) =	vpush v0, $0x1  }
0x106: {  	(v2sf) =	vpush v0, $0x2;
	_ =	sdelay $0x1  }
0x107: {  	(v2sf) =	vpush v0, $0x3;
	_ =	sdelay $0x1  }
0x108: {  	(v2sf) =	vpush v0, $0x4;
	_ =	sdelay $0x3  }
0x109: {  	(v2sf) =	vpush v0, $0x5;
	_ =	sdelay $0x3  }
0x10a: {  	s14 =	sshra.s32 s14, $0x2;
	(v2sf) =	vpush v0, $0x6  }
0x10b: {  	s15 =	sadd.s32 $0x440, s14;
	s16 =	spop (v2sf)  }
0x10c: {  	s17 =	sadd.s32 $0x400, s14;
	s16 =	sand.u32 $0x1FFFFFF0, s16;
	s18 =	spop (v2sf)  }
0x10d: {  	s16 =	sadd.s32 s3, s16;
	s18 =	sand.u32 $0x1FFFFFF0, s18;
	s19 =	spop (v2sf)  }
0x10e: {  	[tilespmem:s17], [sflag:$0x1] =	stream.strided.gather [hbm4b:s16+s7], $0x0, s8, s7, $0x38;
	(v2sf) =	vpush v0, $0x7;
	[tilespmem:$0x10400] =	vst v63  }
0x10f: {  	s18 =	sadd.s32 s3, s18;
	s19 =	sand.u32 $0x1FFFFFF0, s19;
	s20 =	spop (v2sf)  }
0x110: {  	[tilespmem:s17], [sflag:$0x1] =	stream.linear.gather [hbm4b:s16+s2], $0x40, $0x38;
	[tilespmem:$0x10400] =	vst v63  }
0x111: {  	s16 =	sand.u32 $0x1FFFFFF0, s20;
	s17 =	spop (v2sf)  }
0x112: {  	[tilespmem:s15], [sflag:$0x1] =	stream.strided.gather [hbm4b:s18+s7], $0x0, s8, s7, $0x38;
	(v2sf) =	vpush v0, $0x8;
	[tilespmem:$0x10400] =	vst v63  }
0x113: {  	s19 =	sadd.s32 s3, s19;
	s20 =	sadd.s32 $0x480, s14;
	s17 =	sand.u32 $0x1FFFFFF0, s17  }
0x114: {  	[tilespmem:s15], [sflag:$0x1] =	stream.linear.gather [hbm4b:s18+s2], $0x40, $0x38;
	[tilespmem:$0x10400] =	vst v63  }
0x115: {  	s15 =	spop (v2sf)  }
0x116: {  	[tilespmem:s20], [sflag:$0x1] =	stream.strided.gather [hbm4b:s19+s7], $0x0, s8, s7, $0x38;
	(v2sf) =	vpush v0, $0x9;
	[tilespmem:$0x10400] =	vst v63  }
0x117: {  	s16 =	sadd.s32 s3, s16;
	s18 =	sadd.s32 $0x4C0, s14;
	s15 =	sand.u32 $0x1FFFFFF0, s15  }
0x118: {  	[tilespmem:s20], [sflag:$0x1] =	stream.linear.gather [hbm4b:s19+s2], $0x40, $0x38;
	[tilespmem:$0x10400] =	vst v63  }
0x119: {  	s19 =	spop (v2sf)  }
0x11a: {  	[tilespmem:s18], [sflag:$0x1] =	stream.strided.gather [hbm4b:s16+s7], $0x0, s8, s7, $0x38;
	(v2sf) =	vpush v0, $0xA;
	[tilespmem:$0x10400] =	vst v63  }
0x11b: {  	s17 =	sadd.s32 s3, s17;
	s20 =	sadd.s32 $0x500, s14;
	s19 =	sand.u32 $0x1FFFFFF0, s19  }
0x11c: {  	[tilespmem:s18], [sflag:$0x1] =	stream.linear.gather [hbm4b:s16+s2], $0x40, $0x38;
	[tilespmem:$0x10400] =	vst v63  }
0x11d: {  	s16 =	spop (v2sf)  }
0x11e: {  	[tilespmem:s20], [sflag:$0x1] =	stream.strided.gather [hbm4b:s17+s7], $0x0, s8, s7, $0x38;
	(v2sf) =	vpush v0, $0xB;
	[tilespmem:$0x10400] =	vst v63  }
0x11f: {  	s15 =	sadd.s32 s3, s15;
	s18 =	sadd.s32 $0x540, s14;
	s16 =	sand.u32 $0x1FFFFFF0, s16  }
0x120: {  	[tilespmem:s20], [sflag:$0x1] =	stream.linear.gather [hbm4b:s17+s2], $0x40, $0x38;
	[tilespmem:$0x10400] =	vst v63  }
0x121: {  	s17 =	spop (v2sf)  }
0x122: {  	[tilespmem:s18], [sflag:$0x1] =	stream.strided.gather [hbm4b:s15+s7], $0x0, s8, s7, $0x38;
	(v2sf) =	vpush v0, $0xC;
	[tilespmem:$0x10400] =	vst v63  }
0x123: {  	s19 =	sadd.s32 s3, s19;
	s20 =	sadd.s32 $0x580, s14;
	s17 =	sand.u32 $0x1FFFFFF0, s17  }
0x124: {  	[tilespmem:s18], [sflag:$0x1] =	stream.linear.gather [hbm4b:s15+s2], $0x40, $0x38;
	[tilespmem:$0x10400] =	vst v63  }
0x125: {  	s15 =	spop (v2sf)  }
0x126: {  	[tilespmem:s20], [sflag:$0x1] =	stream.strided.gather [hbm4b:s19+s7], $0x0, s8, s7, $0x38;
	(v2sf) =	vpush v0, $0xD;
	[tilespmem:$0x10400] =	vst v63  }
0x127: {  	s16 =	sadd.s32 s3, s16;
	s18 =	sadd.s32 $0x5C0, s14;
	s15 =	sand.u32 $0x1FFFFFF0, s15  }
0x128: {  	[tilespmem:s20], [sflag:$0x1] =	stream.linear.gather [hbm4b:s19+s2], $0x40, $0x38;
	[tilespmem:$0x10400] =	vst v63  }
0x129: {  	s19 =	spop (v2sf)  }
0x12a: {  	[tilespmem:s18], [sflag:$0x1] =	stream.strided.gather [hbm4b:s16+s7], $0x0, s8, s7, $0x38;
	(v2sf) =	vpush v0, $0xE;
	[tilespmem:$0x10400] =	vst v63  }
0x12b: {  	s17 =	sadd.s32 s3, s17;
	s20 =	sadd.s32 $0x600, s14;
	s19 =	sand.u32 $0x1FFFFFF0, s19  }
0x12c: {  	[tilespmem:s18], [sflag:$0x1] =	stream.linear.gather [hbm4b:s16+s2], $0x40, $0x38;
	[tilespmem:$0x10400] =	vst v63  }
0x12d: {  	s16 =	spop (v2sf)  }
0x12e: {  	[tilespmem:s20], [sflag:$0x1] =	stream.strided.gather [hbm4b:s17+s7], $0x0, s8, s7, $0x38;
	(v2sf) =	vpush v0, $0xF;
	[tilespmem:$0x10400] =	vst v63  }
0x12f: {  	s15 =	sadd.s32 s3, s15;
	s18 =	sadd.s32 $0x640, s14;
	s16 =	sand.u32 $0x1FFFFFF0, s16  }
0x130: {  	[tilespmem:s20], [sflag:$0x1] =	stream.linear.gather [hbm4b:s17+s2], $0x40, $0x38;
	[tilespmem:$0x10400] =	vst v63  }
0x131: {  	s17 =	spop (v2sf)  }
0x132: {  	[tilespmem:s18], [sflag:$0x1] =	stream.strided.gather [hbm4b:s15+s7], $0x0, s8, s7, $0x38;
	[tilespmem:$0x10400] =	vst v63  }
0x133: {  	s19 =	sadd.s32 s3, s19;
	s20 =	sadd.s32 $0x680, s14;
	s17 =	sand.u32 $0x1FFFFFF0, s17  }
0x134: {  	[tilespmem:s18], [sflag:$0x1] =	stream.linear.gather [hbm4b:s15+s2], $0x40, $0x38;
	[tilespmem:$0x10400] =	vst v63  }
0x135: {  	s15 =	spop (v2sf)  }
0x136: {  	[tilespmem:s20], [sflag:$0x1] =	stream.strided.gather [hbm4b:s19+s7], $0x0, s8, s7, $0x38;
	[tilespmem:$0x10400] =	vst v63  }
0x137: {  	s16 =	sadd.s32 s3, s16;
	s18 =	sadd.s32 $0x6C0, s14;
	s15 =	sand.u32 $0x1FFFFFF0, s15  }
0x138: {  	[tilespmem:s20], [sflag:$0x1] =	stream.linear.gather [hbm4b:s19+s2], $0x40, $0x38;
	[tilespmem:$0x10400] =	vst v63  }
0x139: {  	s19 =	spop (v2sf)  }
0x13a: {  	[tilespmem:s18], [sflag:$0x1] =	stream.strided.gather [hbm4b:s16+s7], $0x0, s8, s7, $0x38;
	[tilespmem:$0x10400] =	vst v63  }
0x13b: {  	s17 =	sadd.s32 s3, s17;
	s20 =	sadd.s32 $0x700, s14;
	s19 =	sand.u32 $0x1FFFFFF0, s19  }
0x13c: {  	[tilespmem:s18], [sflag:$0x1] =	stream.linear.gather [hbm4b:s16+s2], $0x40, $0x38;
	[tilespmem:$0x10400] =	vst v63  }
0x13d: {  	s16 =	spop (v2sf)  }
0x13e: {  	[tilespmem:s20], [sflag:$0x1] =	stream.strided.gather [hbm4b:s17+s7], $0x0, s8, s7, $0x38;
	[tilespmem:$0x10400] =	vst v63  }
0x13f: {  	s15 =	sadd.s32 s3, s15;
	s18 =	sadd.s32 $0x740, s14;
	s16 =	sand.u32 $0x1FFFFFF0, s16  }
0x140: {  	[tilespmem:s20], [sflag:$0x1] =	stream.linear.gather [hbm4b:s17+s2], $0x40, $0x38;
	[tilespmem:$0x10400] =	vst v63  }
0x141: {  	_ = 	snop  }
0x142: {  	[tilespmem:s18], [sflag:$0x1] =	stream.strided.gather [hbm4b:s15+s7], $0x0, s8, s7, $0x38;
	[tilespmem:$0x10400] =	vst v63  }
0x143: {  	s19 =	sadd.s32 s3, s19;
	s17 =	sadd.s32 $0x780, s14  }
0x144: {  	[tilespmem:s18], [sflag:$0x1] =	stream.linear.gather [hbm4b:s15+s2], $0x40, $0x38;
	[tilespmem:$0x10400] =	vst v63  }
0x145: {  	_ = 	snop  }
0x146: {  	[tilespmem:s17], [sflag:$0x1] =	stream.strided.gather [hbm4b:s19+s7], $0x0, s8, s7, $0x38;
	[tilespmem:$0x10400] =	vst v63  }
0x147: {  	s16 =	sadd.s32 s3, s16;
	s15 =	sadd.s32 $0x7C0, s14  }
0x148: {  	[tilespmem:s17], [sflag:$0x1] =	stream.linear.gather [hbm4b:s19+s2], $0x40, $0x38;
	[tilespmem:$0x10400] =	vst v63  }
0x149: {  	_ = 	snop  }
0x14a: {  	[tilespmem:s15], [sflag:$0x1] =	stream.strided.gather [hbm4b:s16+s7], $0x0, s8, s7, $0x38;
	[tilespmem:$0x10400] =	vst v63  }
0x14b: {  	_ = 	snop  }
0x14c: {  	[tilespmem:s15], [sflag:$0x1] =	stream.linear.gather [hbm4b:s16+s2], $0x40, $0x38;
	[tilespmem:$0x10400] =	vst v63  }
0x14d: {  	v0 =	vld [tilespmem:s12+$0x0];
	_ =	sdelay $0x4  }
0x14e: {  	v0 =	vshll.u32 v0, $0x4  }
0x14f: {  	(v2sf) =	vpush v0, $0x0  }
0x150: {  	(v2sf) =	vpush v0, $0x1  }
0x151: {  	(v2sf) =	vpush v0, $0x2;
	_ =	sdelay $0x1  }
0x152: {  	(v2sf) =	vpush v0, $0x3;
	_ =	sdelay $0x1  }
0x153: {  	(v2sf) =	vpush v0, $0x4;
	_ =	sdelay $0x1  }
0x154: {  	(v2sf) =	vpush v0, $0x5;
	_ =	sdelay $0x1  }
0x155: {  	(v2sf) =	vpush v0, $0x6;
	_ =	sdelay $0x1  }
0x156: {  	(v2sf) =	vpush v0, $0x7;
	_ =	sdelay $0x1  }
0x157: {  	(v2sf) =	vpush v0, $0x8  }
0x158: {  	s15 =	sadd.s32 $0x840, s14;
	s16 =	spop (v2sf)  }
0x159: {  	s17 =	sadd.s32 $0x800, s14;
	s16 =	sand.u32 $0x1FFFFFF0, s16;
	s18 =	spop (v2sf);
	(v2sf) =	vpush v0, $0x9  }
0x15a: {  	s16 =	sadd.s32 s3, s16;
	s18 =	sand.u32 $0x1FFFFFF0, s18;
	s19 =	spop (v2sf)  }
0x15b: {  	[tilespmem:s17], [sflag:$0x1] =	stream.strided.gather [hbm4b:s16+s7], $0x0, s8, s7, $0x38;
	(v2sf) =	vpush v0, $0xA;
	[tilespmem:$0x10400] =	vst v63  }
0x15c: {  	s18 =	sadd.s32 s3, s18;
	s19 =	sand.u32 $0x1FFFFFF0, s19;
	s20 =	spop (v2sf)  }
0x15d: {  	[tilespmem:s17], [sflag:$0x1] =	stream.linear.gather [hbm4b:s16+s2], $0x40, $0x38;
	(v2sf) =	vpush v0, $0xB;
	[tilespmem:$0x10400] =	vst v63  }
0x15e: {  	s16 =	sadd.s32 $0x880, s14;
	s17 =	sand.u32 $0x1FFFFFF0, s20;
	s20 =	spop (v2sf)  }
0x15f: {  	[tilespmem:s15], [sflag:$0x1] =	stream.strided.gather [hbm4b:s18+s7], $0x0, s8, s7, $0x38;
	(v2sf) =	vpush v0, $0xC;
	[tilespmem:$0x10400] =	vst v63  }
0x160: {  	s19 =	sadd.s32 s3, s19;
	s20 =	sand.u32 $0x1FFFFFF0, s20;
	s21 =	spop (v2sf)  }
0x161: {  	[tilespmem:s15], [sflag:$0x1] =	stream.linear.gather [hbm4b:s18+s2], $0x40, $0x38;
	(v2sf) =	vpush v0, $0xD;
	[tilespmem:$0x10400] =	vst v63  }
0x162: {  	s15 =	sadd.s32 $0x8C0, s14;
	s18 =	sand.u32 $0x1FFFFFF0, s21;
	s21 =	spop (v2sf)  }
0x163: {  	[tilespmem:s16], [sflag:$0x1] =	stream.strided.gather [hbm4b:s19+s7], $0x0, s8, s7, $0x38;
	(v2sf) =	vpush v0, $0xE;
	[tilespmem:$0x10400] =	vst v63  }
0x164: {  	s17 =	sadd.s32 s3, s17;
	s21 =	sand.u32 $0x1FFFFFF0, s21;
	s22 =	spop (v2sf)  }
0x165: {  	[tilespmem:s16], [sflag:$0x1] =	stream.linear.gather [hbm4b:s19+s2], $0x40, $0x38;
	(v2sf) =	vpush v0, $0xF;
	[tilespmem:$0x10400] =	vst v63  }
0x166: {  	s16 =	sadd.s32 $0x900, s14;
	s19 =	sand.u32 $0x1FFFFFF0, s22;
	s22 =	spop (v2sf)  }
0x167: {  	[tilespmem:s15], [sflag:$0x1] =	stream.strided.gather [hbm4b:s17+s7], $0x0, s8, s7, $0x38;
	[tilespmem:$0x10400] =	vst v63  }
0x168: {  	s20 =	sadd.s32 s3, s20;
	s22 =	sand.u32 $0x1FFFFFF0, s22;
	s23 =	spop (v2sf)  }
0x169: {  	[tilespmem:s15], [sflag:$0x1] =	stream.linear.gather [hbm4b:s17+s2], $0x40, $0x38;
	[tilespmem:$0x10400] =	vst v63  }
0x16a: {  	s15 =	sadd.s32 $0x940, s14;
	s17 =	sand.u32 $0x1FFFFFF0, s23;
	s23 =	spop (v2sf)  }
0x16b: {  	[tilespmem:s16], [sflag:$0x1] =	stream.strided.gather [hbm4b:s20+s7], $0x0, s8, s7, $0x38;
	[tilespmem:$0x10400] =	vst v63  }
0x16c: {  	s18 =	sadd.s32 s3, s18;
	s23 =	sand.u32 $0x1FFFFFF0, s23;
	s24 =	spop (v2sf)  }
0x16d: {  	[tilespmem:s16], [sflag:$0x1] =	stream.linear.gather [hbm4b:s20+s2], $0x40, $0x38;
	[tilespmem:$0x10400] =	vst v63  }
0x16e: {  	s16 =	sadd.s32 $0x980, s14;
	s20 =	sand.u32 $0x1FFFFFF0, s24;
	s24 =	spop (v2sf)  }
0x16f: {  	[tilespmem:s15], [sflag:$0x1] =	stream.strided.gather [hbm4b:s18+s7], $0x0, s8, s7, $0x38;
	[tilespmem:$0x10400] =	vst v63  }
0x170: {  	s21 =	sadd.s32 s3, s21;
	s24 =	sand.u32 $0x1FFFFFF0, s24;
	s25 =	spop (v2sf)  }
0x171: {  	[tilespmem:s15], [sflag:$0x1] =	stream.linear.gather [hbm4b:s18+s2], $0x40, $0x38;
	[tilespmem:$0x10400] =	vst v63  }
0x172: {  	s15 =	sadd.s32 $0x9C0, s14;
	s18 =	sand.u32 $0x1FFFFFF0, s25;
	s25 =	spop (v2sf)  }
0x173: {  	[tilespmem:s16], [sflag:$0x1] =	stream.strided.gather [hbm4b:s21+s7], $0x0, s8, s7, $0x38;
	[tilespmem:$0x10400] =	vst v63  }
0x174: {  	s19 =	sadd.s32 s3, s19;
	s25 =	sand.u32 $0x1FFFFFF0, s25;
	s26 =	spop (v2sf)  }
0x175: {  	[tilespmem:s16], [sflag:$0x1] =	stream.linear.gather [hbm4b:s21+s2], $0x40, $0x38;
	[tilespmem:$0x10400] =	vst v63  }
0x176: {  	s16 =	sand.u32 $0x1FFFFFF0, s26  }
0x177: {  	[tilespmem:s15], [sflag:$0x1] =	stream.strided.gather [hbm4b:s19+s7], $0x0, s8, s7, $0x38;
	[tilespmem:$0x10400] =	vst v63  }
0x178: {  	s22 =	sadd.s32 s3, s22;
	s21 =	sadd.s32 $0xA00, s14  }
0x179: {  	[tilespmem:s15], [sflag:$0x1] =	stream.linear.gather [hbm4b:s19+s2], $0x40, $0x38;
	[tilespmem:$0x10400] =	vst v63  }
0x17a: {  	_ = 	snop  }
0x17b: {  	[tilespmem:s21], [sflag:$0x1] =	stream.strided.gather [hbm4b:s22+s7], $0x0, s8, s7, $0x38;
	[tilespmem:$0x10400] =	vst v63  }
0x17c: {  	s17 =	sadd.s32 s3, s17;
	s15 =	sadd.s32 $0xA40, s14  }
0x17d: {  	[tilespmem:s21], [sflag:$0x1] =	stream.linear.gather [hbm4b:s22+s2], $0x40, $0x38;
	[tilespmem:$0x10400] =	vst v63  }
0x17e: {  	_ = 	snop  }
0x17f: {  	[tilespmem:s15], [sflag:$0x1] =	stream.strided.gather [hbm4b:s17+s7], $0x0, s8, s7, $0x38;
	[tilespmem:$0x10400] =	vst v63  }
0x180: {  	s19 =	sadd.s32 $0xA80, s14;
	s21 =	sadd.s32 s3, s23  }
0x181: {  	[tilespmem:s15], [sflag:$0x1] =	stream.linear.gather [hbm4b:s17+s2], $0x40, $0x38;
	[tilespmem:$0x10400] =	vst v63  }
0x182: {  	_ = 	snop  }
0x183: {  	[tilespmem:s19], [sflag:$0x1] =	stream.strided.gather [hbm4b:s21+s7], $0x0, s8, s7, $0x38;
	[tilespmem:$0x10400] =	vst v63  }
0x184: {  	s15 =	sadd.s32 $0xAC0, s14;
	s17 =	sadd.s32 s3, s20  }
0x185: {  	[tilespmem:s19], [sflag:$0x1] =	stream.linear.gather [hbm4b:s21+s2], $0x40, $0x38;
	[tilespmem:$0x10400] =	vst v63  }
0x186: {  	_ = 	snop  }
0x187: {  	[tilespmem:s15], [sflag:$0x1] =	stream.strided.gather [hbm4b:s17+s7], $0x0, s8, s7, $0x38;
	[tilespmem:$0x10400] =	vst v63  }
0x188: {  	s20 =	sadd.s32 s3, s24;
	s19 =	sadd.s32 $0xB00, s14  }
0x189: {  	[tilespmem:s15], [sflag:$0x1] =	stream.linear.gather [hbm4b:s17+s2], $0x40, $0x38;
	[tilespmem:$0x10400] =	vst v63  }
0x18a: {  	_ = 	snop  }
0x18b: {  	[tilespmem:s19], [sflag:$0x1] =	stream.strided.gather [hbm4b:s20+s7], $0x0, s8, s7, $0x38;
	[tilespmem:$0x10400] =	vst v63  }
0x18c: {  	s15 =	sadd.s32 $0xB40, s14;
	s17 =	sadd.s32 s3, s18  }
0x18d: {  	[tilespmem:s19], [sflag:$0x1] =	stream.linear.gather [hbm4b:s20+s2], $0x40, $0x38;
	[tilespmem:$0x10400] =	vst v63  }
0x18e: {  	_ = 	snop  }
0x18f: {  	[tilespmem:s15], [sflag:$0x1] =	stream.strided.gather [hbm4b:s17+s7], $0x0, s8, s7, $0x38;
	[tilespmem:$0x10400] =	vst v63  }
0x190: {  	s18 =	sadd.s32 $0xB80, s14;
	s19 =	sadd.s32 s3, s25  }
0x191: {  	[tilespmem:s15], [sflag:$0x1] =	stream.linear.gather [hbm4b:s17+s2], $0x40, $0x38;
	[tilespmem:$0x10400] =	vst v63  }
0x192: {  	_ = 	snop  }
0x193: {  	[tilespmem:s18], [sflag:$0x1] =	stream.strided.gather [hbm4b:s19+s7], $0x0, s8, s7, $0x38;
	[tilespmem:$0x10400] =	vst v63  }
0x194: {  	s14 =	sadd.s32 $0xBC0, s14;
	s15 =	sadd.s32 s3, s16  }
0x195: {  	[tilespmem:s18], [sflag:$0x1] =	stream.linear.gather [hbm4b:s19+s2], $0x40, $0x38;
	[tilespmem:$0x10400] =	vst v63  }
0x196: {  	_ = 	snop  }
0x197: {  	[tilespmem:s14], [sflag:$0x1] =	stream.strided.gather [hbm4b:s15+s7], $0x0, s8, s7, $0x38;
	[tilespmem:$0x10400] =	vst v63  }
0x198: {  	_ = 	snop  }
0x199: {  	[tilespmem:s14], [sflag:$0x1] =	stream.linear.gather [hbm4b:s15+s2], $0x40, $0x38;
	[tilespmem:$0x10400] =	vst v63  }
0x19a: {  	_ =	swait.ge [sflag:s10], $0x40  }
0x19b: {  	[sflag:s10] =	ssyncset.done $0x0  }
0x19c: {  	[sflag:s10] =	ssyncadd.s32 $0xFFFFFFC0  }
0x19d: {  	_ =	swait.ge [sflag:s10], $0x40  }
0x19e: {  	[sflag:s10] =	ssyncset.done $0x0  }
0x19f: {  	[sflag:s10] =	ssyncadd.s32 $0xFFFFFFC0  }
0x1a0: {  	_ =	swait.ge [sflag:s10], $0x40  }
0x1a1: {  	[sflag:s10] =	ssyncset.done $0x0  }
0x1a2: {  	[sflag:s10] =	ssyncadd.s32 $0xFFFFFFC0  }
0x1a3: {  	_ =	swait.ge [sflag:s10], $0x40  }
0x1a4: {  	[sflag:s10] =	ssyncset.done $0x0  }
0x1a5: {  	[sflag:s10] =	ssyncadd.s32 $0xFFFFFFC0  }
0x1a6: {  	_ =	swait.ge [sflag:s10], $0x40  }
0x1a7: {  	[sflag:s10] =	ssyncset.done $0x0  }
0x1a8: {  	[sflag:s10] =	ssyncadd.s32 $0xFFFFFFC0  }
0x1a9: {  	_ =	swait.ge [sflag:s10], $0x40  }
0x1aa: {  	[sflag:s10] =	ssyncset.done $0x0  }
0x1ab: {  	[sflag:s10] =	ssyncadd.s32 $0xFFFFFFC0  }
0x1ac: {  	_ =	swait.ge [sflag:s10], $0x40  }
0x1ad: {  	[sflag:s10] =	ssyncset.done $0x0  }
0x1ae: {  	[sflag:s10] =	ssyncadd.s32 $0xFFFFFFC0  }
0x1af: {  	_ =	swait.ge [sflag:s10], $0x40  }
0x1b0: {  	[sflag:s10] =	ssyncset.done $0x0  }
0x1b1: {  	[sflag:s10] =	ssyncadd.s32 $0xFFFFFFC0  }
0x1b2: {  	_ =	swait.ge [sflag:s10], $0x40  }
0x1b3: {  	[sflag:s10] =	ssyncset.done $0x0  }
0x1b4: {  	[sflag:s10] =	ssyncadd.s32 $0xFFFFFFC0  }
0x1b5: {  	_ =	swait.ge [sflag:s10], $0x40  }
0x1b6: {  	[sflag:s10] =	ssyncset.done $0x0  }
0x1b7: {  	[sflag:s10] =	ssyncadd.s32 $0xFFFFFFC0  }
0x1b8: {  	_ =	swait.ge [sflag:s10], $0x40  }
0x1b9: {  	[sflag:s10] =	ssyncset.done $0x0  }
0x1ba: {  	[sflag:s10] =	ssyncadd.s32 $0xFFFFFFC0  }
0x1bb: {  	_ =	swait.ge [sflag:s10], $0x40  }
0x1bc: {  	[sflag:s10] =	ssyncset.done $0x0  }
0x1bd: {  	[sflag:s10] =	ssyncadd.s32 $0xFFFFFFC0  }
0x1be: {  	_ =	swait.ge [sflag:s10], $0x40  }
0x1bf: {  	[sflag:s10] =	ssyncset.done $0x0  }
0x1c0: {  	[sflag:s10] =	ssyncadd.s32 $0xFFFFFFC0  }
0x1c1: {  	_ =	swait.ge [sflag:s10], $0x40  }
0x1c2: {  	[sflag:s10] =	ssyncset.done $0x0  }
0x1c3: {  	[sflag:s10] =	ssyncadd.s32 $0xFFFFFFC0  }
0x1c4: {  	_ =	swait.ge [sflag:s10], $0x40  }
0x1c5: {  	[sflag:s10] =	ssyncset.done $0x0  }
0x1c6: {  	[sflag:s10] =	ssyncadd.s32 $0xFFFFFFC0  }
0x1c7: {  	_ =	swait.ge [sflag:s10], $0x40  }
0x1c8: {  	[sflag:s10] =	ssyncset.done $0x0  }
0x1c9: {  	[sflag:s10] =	ssyncadd.s32 $0xFFFFFFC0  }
0x1ca: {  	_ =	swait.ge [sflag:s10], $0x40  }
0x1cb: {  	[sflag:s10] =	ssyncset.done $0x0  }
0x1cc: {  	[sflag:s10] =	ssyncadd.s32 $0xFFFFFFC0  }
0x1cd: {  	_ =	swait.ge [sflag:s10], $0x40  }
0x1ce: {  	[sflag:s10] =	ssyncset.done $0x0  }
0x1cf: {  	[sflag:s10] =	ssyncadd.s32 $0xFFFFFFC0  }
0x1d0: {  	_ =	swait.ge [sflag:s10], $0x40  }
0x1d1: {  	[sflag:s10] =	ssyncset.done $0x0  }
0x1d2: {  	[sflag:s10] =	ssyncadd.s32 $0xFFFFFFC0  }
0x1d3: {  	_ =	swait.ge [sflag:s10], $0x40  }
0x1d4: {  	[sflag:s10] =	ssyncset.done $0x0  }
0x1d5: {  	[sflag:s10] =	ssyncadd.s32 $0xFFFFFFC0  }
0x1d6: {  	_ =	swait.ge [sflag:s10], $0x40  }
0x1d7: {  	[sflag:s10] =	ssyncset.done $0x0  }
0x1d8: {  	[sflag:s10] =	ssyncadd.s32 $0xFFFFFFC0  }
0x1d9: {  	_ =	swait.ge [sflag:s10], $0x40  }
0x1da: {  	[sflag:s10] =	ssyncset.done $0x0  }
0x1db: {  	[sflag:s10] =	ssyncadd.s32 $0xFFFFFFC0  }
0x1dc: {  	_ =	swait.ge [sflag:s10], $0x40  }
0x1dd: {  	[sflag:s10] =	ssyncset.done $0x0  }
0x1de: {  	[sflag:s10] =	ssyncadd.s32 $0xFFFFFFC0  }
0x1df: {  	_ =	swait.ge [sflag:s10], $0x40  }
0x1e0: {  	[sflag:s10] =	ssyncset.done $0x0  }
0x1e1: {  	[sflag:s10] =	ssyncadd.s32 $0xFFFFFFC0  }
0x1e2: {  	_ =	swait.ge [sflag:s10], $0x40  }
0x1e3: {  	[sflag:s10] =	ssyncset.done $0x0  }
0x1e4: {  	[sflag:s10] =	ssyncadd.s32 $0xFFFFFFC0  }
0x1e5: {  	_ =	swait.ge [sflag:s10], $0x40  }
0x1e6: {  	[sflag:s10] =	ssyncset.done $0x0  }
0x1e7: {  	[sflag:s10] =	ssyncadd.s32 $0xFFFFFFC0  }
0x1e8: {  	_ =	swait.ge [sflag:s10], $0x40  }
0x1e9: {  	[sflag:s10] =	ssyncset.done $0x0  }
0x1ea: {  	[sflag:s10] =	ssyncadd.s32 $0xFFFFFFC0  }
0x1eb: {  	_ =	swait.ge [sflag:s10], $0x40  }
0x1ec: {  	[sflag:s10] =	ssyncset.done $0x0  }
0x1ed: {  	[sflag:s10] =	ssyncadd.s32 $0xFFFFFFC0  }
0x1ee: {  	_ =	swait.ge [sflag:s10], $0x40  }
0x1ef: {  	[sflag:s10] =	ssyncset.done $0x0  }
0x1f0: {  	[sflag:s10] =	ssyncadd.s32 $0xFFFFFFC0  }
0x1f1: {  	_ =	swait.ge [sflag:s10], $0x40  }
.Ltmp0:
0x1f2: {  	[sflag:s10] =	ssyncset.done $0x0;
	(pc) =	sbr.rel @p0 .LBB2_2-.Ltmp0, $4  }
0x1f3: {  	[sflag:s10] =	ssyncadd.s32 $0xFFFFFFC0  }
0x1f4: {  	_ =	swait.ge [sflag:s10], $0x40  }
0x1f5: {  	[sflag:s10] =	ssyncset.done $0x0  }
0x1f6: {  	[sflag:s10] =	ssyncadd.s32 $0xFFFFFFC0  }
0x1f7: {  	_ =	swait.ge [sflag:s10], $0x40;
	s11 =	sadd.s32 $0x1, s11  }
0x1f8: {  	[sflag:s10] =	ssyncset.done $0x0;
	p0 =	sne.s32 s11, s6  }
.Ltmp1:
0x1f9: {  	[sflag:s10] =	ssyncadd.s32 $0xFFFFFFC0;
	(pc) =	sbr.rel @p0 .LBB2_1-.Ltmp1, $4  }
0x1fa: {  	[hbm4b:s5+s2] =	stream.linear.scatter [tilespmem:s8], [sflag:$0x2], $0x10000, $0x38;
	[tilespmem:$0x10400] =	vst v63  }
0x1fb: {  	_ =	swait.ge [sflag:s9], $0x10000  }
0x1fc: {  	[sflag:s9] =	ssyncset.done $0x0  }
0x1fd: {  	[sflag:s9] =	ssyncadd.s32 $0xFFFF0000  }
0x1fe: {  	_ =	sfence.sel $0x180000  }
0x1ff: {  	[bflag:$0x0] =	sbarrier.arrive $0xFFFF  }
0x200: {  	p0 =	sne.s32 s1, $0x0;
	_ =	strace $0x90000047  }
0x201: {  	s0 =	sadd.s32 @!p0 $0x100000, s0;
	[bflag:$0x2] =	sbarrier.arrive $0xFFFF  }
0x202: {  	[sflag:s0] =	ssyncadd.tile.s32 @!p0 $0x1;
	_ =	shalt  }
.Lfunc_end2:
_tile_overlayer_lowered:
.L_overlay_start_2:
0x203: {  	(tag) =	ssettag $0x2  }
0x204: {  	s0 =	rddreg [dreg:$0x0];
	s2 =	stileid.u32  }
0x205: {  	s1 =	rddreg [dreg:$0x1];
	p0 =	sne.s32 s2, $0x0  }
0x206: {  	s3 =	rddreg [dreg:$0x2];
	[bflag:$0x3] =	sbarrier.arrive $0xFFFF;
	s2 =	simm.s32 @!p0 $0x1C02  }
0x207: {  	[timem:s3], [sflag:s2] =	dma.local @!p0 [hbm:s0], s1  }
0x208: {  	s0 =	simm.s32 @!p0 $0x2  }
0x209: {  	_ =	swait.ge @!p0 [sflag:s0], s1  }
0x20a: {  	s1 =	ssub.s32 @!p0 $0x0, s1;
	[sflag:s0] =	ssyncset.done @!p0 $0x0  }
0x20b: {  	[sflag:s0] =	ssyncadd.s32 @!p0 s1  }
0x20c: {  	[bflag:$0x3] =	sbarrier.arrive $0xFFFF  }
0x20d: {  	_ =	shalt  }

</sc_bundles>
